<compile_context>
chip_gen: v7x
topology: tpu7x:2x2x1
jax: 0.10.2.dev20260603
libtpu: 0.0.44.dev20260713+nightly
codegen_flags: <defaults>
</compile_context>

<pallas_src>
import functools

import jax
import jax.numpy as jnp
from jax import lax
from jax.experimental import pallas as pl
from jax.experimental.pallas import tpu as pltpu
from jax.experimental.pallas import tpu_sc as plsc

WL = 8
FL = 4
EPS = 1e-5

N = 10000
D = 128
E = 320000
H = 2 * D

NC = 2
NS = 16
NW = NC * NS
T_EDGES = E // NW
K = 40
NCHUNK = T_EDGES // K
N_PAD = 10240
ROWS_PER_TILE = N_PAD // NS
RB = K


def _fp_quant(w):
    scale = 2.0 ** FL
    lo = -(2.0 ** (WL - FL - 1))
    hi = 2.0 ** (WL - FL - 1) - 2.0 ** (-FL)
    return jnp.clip(jnp.round(w * scale) / scale, lo, hi)


NBUF = 5
GROUPS = NCHUNK // NBUF


def _sc_agg_body(h_hbm, src_hbm, dst_hbm, out_hbm, src_all, dst_all, *bufs):
    rows = bufs[0:NBUF]
    acc = bufs[NBUF]
    sems = bufs[NBUF + 1:]
    gsems = sems[0:NBUF]
    ssems = sems[NBUF:2 * NBUF]

    c = lax.axis_index("c")
    s = lax.axis_index("s")
    wid = s * NC + c
    base = wid * T_EDGES

    pltpu.async_copy(src_hbm.at[pl.ds(base, T_EDGES)], src_all, gsems[0])
    pltpu.async_copy(dst_hbm.at[pl.ds(base, T_EDGES)], dst_all, gsems[1])

    zbuf = rows[0]

    def zero_zbuf(r, _):
        for j in range(D // 16):
            zbuf[r, pl.ds(j * 16, 16)] = jnp.zeros((16,), jnp.float32)
        return 0

    lax.fori_loop(0, RB, zero_zbuf, 0)
    row0 = s * ROWS_PER_TILE
    nz = ROWS_PER_TILE // RB
    for t in range(nz):
        pltpu.async_copy(zbuf, acc.at[pl.ds(row0 + t * RB, RB)],
                         ssems[t % NBUF])
    for t in range(nz):
        pltpu.make_async_copy(zbuf, acc.at[pl.ds(row0 + t * RB, RB)],
                              ssems[t % NBUF]).wait()
    pltpu.make_async_copy(src_hbm.at[pl.ds(base, T_EDGES)], src_all,
                          gsems[0]).wait()
    pltpu.make_async_copy(dst_hbm.at[pl.ds(base, T_EDGES)], dst_all,
                          gsems[1]).wait()
    plsc.subcore_barrier()

    def sidx(g, j):
        return src_all.at[pl.ds((g * NBUF + j) * K, K)]

    def didx(g, j):
        return dst_all.at[pl.ds((g * NBUF + j) * K, K)]

    def wait_scatter(g, j):
        pltpu.make_async_copy(rows[j], acc.at[didx(g, j)], ssems[j]).wait()

    def group_body(g, _):
        for j in range(NBUF):
            @pl.when(g > 0)
            def _(j=j):
                wait_scatter(g - 1, j)

            pltpu.async_copy(h_hbm.at[sidx(g, j)], rows[j], gsems[j])
        for j in range(NBUF):
            pltpu.make_async_copy(h_hbm.at[sidx(g, j)], rows[j],
                                  gsems[j]).wait()
            pltpu.async_copy(rows[j], acc.at[didx(g, j)], ssems[j], add=True)
        return 0

    lax.fori_loop(0, GROUPS, group_body, 0)
    for j in range(NBUF):
        wait_scatter(GROUPS - 1, j)
    plsc.subcore_barrier()

    for t in range(nz):
        r = row0 + t * RB
        pltpu.async_copy(acc.at[pl.ds(r, RB)], out_hbm.at[c].at[pl.ds(r, RB)],
                         ssems[t % NBUF])
    for t in range(nz):
        r = row0 + t * RB
        pltpu.make_async_copy(acc.at[pl.ds(r, RB)],
                              out_hbm.at[c].at[pl.ds(r, RB)],
                              ssems[t % NBUF]).wait()


@jax.jit
def _sc_agg(h, src, dst):
    mesh = plsc.VectorSubcoreMesh(core_axis_name="c", subcore_axis_name="s")
    return pl.kernel(
        _sc_agg_body,
        out_type=jax.ShapeDtypeStruct((NC, N_PAD, D), jnp.float32),
        mesh=mesh,
        scratch_types=[
            pltpu.VMEM((T_EDGES,), jnp.int32),
            pltpu.VMEM((T_EDGES,), jnp.int32),
            *[pltpu.VMEM((K, D), jnp.float32) for _ in range(NBUF)],
            pltpu.VMEM_SHARED((N_PAD, D), jnp.float32),
            *[pltpu.SemaphoreType.DMA for _ in range(2 * NBUF)],
        ],
    )(h, src, dst)


R_BLK = 5000


def _mlp_body(apply_out, h_ref, p0_ref, p1_ref, w1_ref, b1_ref, mg_ref,
              mb_ref, mm_ref, mv_ref, w2_ref, b2_ref, og_ref, ob_ref, om_ref,
              ov_ref, out_ref):
    z = h_ref[...] + p0_ref[0] + p1_ref[0]
    w1q = _fp_quant(w1_ref[...])
    y = lax.dot_general(z, w1q, (((1,), (1,)), ((), ())),
                        preferred_element_type=jnp.float32,
                        precision=lax.Precision.DEFAULT)
    y = y + b1_ref[...]
    y = (y - mm_ref[...]) * lax.rsqrt(mv_ref[...] + EPS) * mg_ref[...] \
        + mb_ref[...]
    y = jnp.maximum(y, 0.0)
    w2q = _fp_quant(w2_ref[...])
    o = lax.dot_general(y, w2q, (((1,), (1,)), ((), ())),
                        preferred_element_type=jnp.float32,
                        precision=lax.Precision.DEFAULT)
    o = o + b2_ref[...]
    if apply_out:
        o = (o - om_ref[...]) * lax.rsqrt(ov_ref[...] + EPS) * og_ref[...] \
            + ob_ref[...]
        o = jnp.maximum(o, 0.0)
    out_ref[...] = o


def _row_spec():
    return pl.BlockSpec((R_BLK, D), lambda r: (r, 0))


def _full_spec(shape):
    return pl.BlockSpec(shape, lambda r: tuple(0 for _ in shape))


@functools.partial(jax.jit, static_argnames=("apply_out",))
def _mlp(h, parts, w1, b1, mg, mb, mm, mv, w2, b2, og, ob, om, ov,
         apply_out):
    vecs = [b1, mg, mb, mm, mv]
    vecs = [v.reshape(1, H) for v in vecs]
    ovecs = [b2, og, ob, om, ov]
    ovecs = [v.reshape(1, D) for v in ovecs]
    part_spec0 = pl.BlockSpec((1, R_BLK, D), lambda r: (0, r, 0))
    part_spec1 = pl.BlockSpec((1, R_BLK, D), lambda r: (1, r, 0))
    return pl.pallas_call(
        functools.partial(_mlp_body, apply_out),
        grid=(N // R_BLK,),
        in_specs=[
            _row_spec(), part_spec0, part_spec1,
            _full_spec((H, D)),
            *[_full_spec((1, H)) for _ in range(5)],
            _full_spec((D, H)),
            *[_full_spec((1, D)) for _ in range(5)],
        ],
        out_specs=_row_spec(),
        out_shape=jax.ShapeDtypeStruct((N, D), jnp.float32),
    )(h, parts, parts, w1, vecs[0], vecs[1], vecs[2], vecs[3], vecs[4], w2,
      ovecs[0], ovecs[1], ovecs[2], ovecs[3], ovecs[4])


def kernel(x, edge_index, W1, b1, mg, mb, mm, mv, W2, b2, og, ob, om, ov):
    zd = jnp.zeros((D,), jnp.float32)
    src = edge_index[0]
    dst = edge_index[1]
    h = x
    for i in range(3):
        parts = _sc_agg(h, src, dst)
        last = i == 2
        h = _mlp(h, parts, W1[i], b1[i], mg[i], mb[i], mm[i],
                 mv[i], W2[i], b2[i],
                 zd if last else og[i], zd if last else ob[i],
                 zd if last else om[i], zd if last else ov[i],
                 apply_out=not last)
    return h

# --- scband reference (transcript-rebuilt; emitter-appended) ---
"""Pipeline reference for scband-qgin-fp-85736137163004 (READ-ONLY COPY).

The authoritative reference and input builder live on the scoring server;
editing this copy changes nothing except your own understanding.
"""

import jax, jax.numpy as jnp
import numpy as np

WL = 8
FL = 4

def fp_quant(w):
    scale = 2.0 ** FL
    lo = -(2.0 ** (WL - FL - 1))
    hi = 2.0 ** (WL - FL - 1) - 2.0 ** (-FL)
    q = jnp.clip(jnp.round(w * scale) / scale, lo, hi)
    return w + jax.lax.stop_gradient(q - w)

def setup_inputs(seed: int = 0):
    key = jax.random.key(seed)
    ks = jax.random.split(key, 16)
    N, D, E, L = 10000, 128, 320000, 3
    H = 2 * D
    x = jax.random.normal(ks[0], (N, D), dtype=jnp.float32)
    edge_index = jax.random.randint(ks[1], (2, E), 0, N, dtype=jnp.int32)
    W1 = jax.random.normal(ks[2], (L, H, D), dtype=jnp.float32) / np.sqrt(D)
    b1 = jax.random.normal(ks[3], (L, H), dtype=jnp.float32) * 0.01
    mg = 1.0 + 0.1 * jax.random.normal(ks[4], (L, H), dtype=jnp.float32)
    mb = 0.1 * jax.random.normal(ks[5], (L, H), dtype=jnp.float32)
    mm = 0.1 * jax.random.normal(ks[6], (L, H), dtype=jnp.float32)
    mv = jax.random.uniform(ks[7], (L, H), minval=0.5, maxval=1.5, dtype=jnp.float32)
    W2 = jax.random.normal(ks[8], (L, D, H), dtype=jnp.float32) / np.sqrt(H)
    b2 = jax.random.normal(ks[9], (L, D), dtype=jnp.float32) * 0.01
    og = 1.0 + 0.1 * jax.random.normal(ks[10], (L - 1, D), dtype=jnp.float32)
    ob = 0.1 * jax.random.normal(ks[11], (L - 1, D), dtype=jnp.float32)
    om = 0.1 * jax.random.normal(ks[12], (L - 1, D), dtype=jnp.float32)
    ov = jax.random.uniform(ks[13], (L - 1, D), minval=0.5, maxval=1.5, dtype=jnp.float32)
    return {"x": x, "edge_index": edge_index, "W1": W1, "b1": b1, "mg": mg, "mb": mb, "mm": mm, "mv": mv, "W2": W2, "b2": b2, "og": og, "ob": ob, "om": om, "ov": ov}

def reference(x, edge_index, W1, b1, mg, mb, mm, mv, W2, b2, og, ob, om, ov):
    src = edge_index[0]
    dst = edge_index[1]
    eps = 1e-5
    def gin_conv(h, i):
        # GIN aggregation: (1 + eps0) * x_i + sum_{j in N(i)} x_j, eps0 = 0 (default)
        agg = jnp.zeros_like(h).at[dst].add(h[src])
        z = h + agg
        # MLP: QLinear_FP(D -> 2D) with fixed-point quantized weights, QBatchNorm1d_FP (inference), ReLU, QLinear_FP(2D -> D)
        z = z @ fp_quant(W1[i]).T + b1[i]
        z = (z - mm[i]) / jnp.sqrt(mv[i] + eps) * mg[i] + mb[i]
        z = jax.nn.relu(z)
        z = z @ fp_quant(W2[i]).T + b2[i]
        return z
    h = x
    for i in range(2):
        h = gin_conv(h, i)
        h = (h - om[i]) / jnp.sqrt(ov[i] + eps) * og[i] + ob[i]
        h = jax.nn.relu(h)
        # dropout p=0.0 / eval mode -> identity
    out = gin_conv(h, 2)
    # return_embeds=True -> no log_softmax
    return out

if __name__ == "__main__":
    import jax
    _d = setup_inputs()
    print(jax.jit(kernel)(*tuple(_d.values())))

</pallas_src>

<mosaic_0001>
#map = affine_map<(d0, d1) -> (0, 0)>
#map1 = affine_map<(d0, d1) -> (0)>
#map2 = affine_map<(d0, d1) -> (0, 0, 0)>
module attributes {stable_mosaic.version = 14 : i64} {
  func.func @_sc_agg_body(%arg0: i32, %arg1: i32, %arg2: memref<10000x128xf32, #tpu.memory_space<hbm>>, %arg3: memref<320000xi32, #tpu.memory_space<hbm>>, %arg4: memref<320000xi32, #tpu.memory_space<hbm>>, %arg5: memref<2x10240x128xf32, #tpu.memory_space<hbm>>, %arg6: memref<10000xi32, #tpu.memory_space<vmem>>, %arg7: memref<10000xi32, #tpu.memory_space<vmem>>, %arg8: memref<40x128xf32, #tpu.memory_space<vmem>>, %arg9: memref<40x128xf32, #tpu.memory_space<vmem>>, %arg10: memref<40x128xf32, #tpu.memory_space<vmem>>, %arg11: memref<40x128xf32, #tpu.memory_space<vmem>>, %arg12: memref<40x128xf32, #tpu.memory_space<vmem>>, %arg13: memref<10240x128xf32, #tpu.memory_space<vmem_shared>>, %arg14: memref<!tpu.dma_semaphore, #tpu.memory_space<semaphore_mem>>, %arg15: memref<!tpu.dma_semaphore, #tpu.memory_space<semaphore_mem>>, %arg16: memref<!tpu.dma_semaphore, #tpu.memory_space<semaphore_mem>>, %arg17: memref<!tpu.dma_semaphore, #tpu.memory_space<semaphore_mem>>, %arg18: memref<!tpu.dma_semaphore, #tpu.memory_space<semaphore_mem>>, %arg19: memref<!tpu.dma_semaphore, #tpu.memory_space<semaphore_mem>>, %arg20: memref<!tpu.dma_semaphore, #tpu.memory_space<semaphore_mem>>, %arg21: memref<!tpu.dma_semaphore, #tpu.memory_space<semaphore_mem>>, %arg22: memref<!tpu.dma_semaphore, #tpu.memory_space<semaphore_mem>>, %arg23: memref<!tpu.dma_semaphore, #tpu.memory_space<semaphore_mem>>) attributes {dimension_semantics = [#tpu.dimension_semantics<core_parallel>, #tpu.dimension_semantics<subcore_parallel>], iteration_bounds = array<i64: 2, 16>, scalar_prefetch = 0 : i64, scratch_operands = 18 : i64, tpu.core_type = #tpu.core_type<sc_vector_subcore>, window_params = [{transform_indices = #map}, {transform_indices = #map1}, {transform_indices = #map1}, {transform_indices = #map2}]} {
    %mul3A = arith.constant 2 : i32
    %mul3A_0 = arith.muli %arg1, %mul3A : i32
    %add3A = arith.addi %mul3A_0, %arg0 : i32
    %mul3A_1 = arith.constant 10000 : i32
    %mul3A_2 = arith.muli %add3A, %mul3A_1 : i32
    %dma_start3A = tpu.memref_slice %arg3[%mul3A_2] : memref<320000xi32, #tpu.memory_space<hbm>> -> memref<10000xi32, #tpu.memory_space<hbm>>
    %dma_start3A_3 = tpu.memref_slice %arg3[%mul3A_2] : memref<320000xi32, #tpu.memory_space<hbm>> -> memref<10000xi32, #tpu.memory_space<hbm>>
    tpu.enqueue_dma source(%dma_start3A_3 : memref<10000xi32, #tpu.memory_space<hbm>>) target(%arg6 : memref<10000xi32, #tpu.memory_space<vmem>>) target_semaphore(%arg14 : memref<!tpu.dma_semaphore, #tpu.memory_space<semaphore_mem>>)
    %dma_start3A_4 = tpu.memref_slice %arg4[%mul3A_2] : memref<320000xi32, #tpu.memory_space<hbm>> -> memref<10000xi32, #tpu.memory_space<hbm>>
    %dma_start3A_5 = tpu.memref_slice %arg4[%mul3A_2] : memref<320000xi32, #tpu.memory_space<hbm>> -> memref<10000xi32, #tpu.memory_space<hbm>>
    tpu.enqueue_dma source(%dma_start3A_5 : memref<10000xi32, #tpu.memory_space<hbm>>) target(%arg7 : memref<10000xi32, #tpu.memory_space<vmem>>) target_semaphore(%arg15 : memref<!tpu.dma_semaphore, #tpu.memory_space<semaphore_mem>>)
    %scan3A = arith.constant 0 : i32
    %scan3A_6 = arith.constant 0 : i32
    %scan3A_7 = arith.constant 40 : i32
    %scan3A_8 = arith.addi %scan3A_6, %scan3A_7 : i32
    %scan3A_9 = arith.constant 1 : i32
    %scan3A_10 = scf.for %scan3A_562 = %scan3A_6 to %scan3A_8 step %scan3A_9 iter_args(%scan3A_563 = %scan3A) -> (i32)  : i32 {
      %broadcast_in_dim3A = arith.constant 0.000000e+00 : f32
      %broadcast_in_dim3A_564 = vector.broadcast %broadcast_in_dim3A : f32 to vector<16xf32>
      %swap3A = arith.index_cast %scan3A_562 : i32 to index
      %swap3A_565 = arith.constant 0 : index
      %swap3A_566 = tpu.vector_load %arg8[%swap3A, %swap3A_565] {strides = array<i32>} : memref<40x128xf32, #tpu.memory_space<vmem>>, vector<1x16xf32>,
      %swap3A_567 = vector.shape_cast %swap3A_566 : vector<1x16xf32> to vector<16xf32>
      %swap3A_568 = vector.shape_cast %broadcast_in_dim3A_564 : vector<16xf32> to vector<1x16xf32>
      tpu.vector_store %arg8[%swap3A, %swap3A_565], %swap3A_568 {strides = array<i32>} : memref<40x128xf32, #tpu.memory_space<vmem>>, vector<1x16xf32>,
      %broadcast_in_dim3A_569 = arith.constant 0.000000e+00 : f32
      %broadcast_in_dim3A_570 = vector.broadcast %broadcast_in_dim3A_569 : f32 to vector<16xf32>
      %swap3A_571 = arith.index_cast %scan3A_562 : i32 to index
      %swap3A_572 = arith.constant 16 : index
      %swap3A_573 = tpu.vector_load %arg8[%swap3A_571, %swap3A_572] {strides = array<i32>} : memref<40x128xf32, #tpu.memory_space<vmem>>, vector<1x16xf32>,
      %swap3A_574 = vector.shape_cast %swap3A_573 : vector<1x16xf32> to vector<16xf32>
      %swap3A_575 = vector.shape_cast %broadcast_in_dim3A_570 : vector<16xf32> to vector<1x16xf32>
      tpu.vector_store %arg8[%swap3A_571, %swap3A_572], %swap3A_575 {strides = array<i32>} : memref<40x128xf32, #tpu.memory_space<vmem>>, vector<1x16xf32>,
      %broadcast_in_dim3A_576 = arith.constant 0.000000e+00 : f32
      %broadcast_in_dim3A_577 = vector.broadcast %broadcast_in_dim3A_576 : f32 to vector<16xf32>
      %swap3A_578 = arith.index_cast %scan3A_562 : i32 to index
      %swap3A_579 = arith.constant 32 : index
      %swap3A_580 = tpu.vector_load %arg8[%swap3A_578, %swap3A_579] {strides = array<i32>} : memref<40x128xf32, #tpu.memory_space<vmem>>, vector<1x16xf32>,
      %swap3A_581 = vector.shape_cast %swap3A_580 : vector<1x16xf32> to vector<16xf32>
      %swap3A_582 = vector.shape_cast %broadcast_in_dim3A_577 : vector<16xf32> to vector<1x16xf32>
      tpu.vector_store %arg8[%swap3A_578, %swap3A_579], %swap3A_582 {strides = array<i32>} : memref<40x128xf32, #tpu.memory_space<vmem>>, vector<1x16xf32>,
      %broadcast_in_dim3A_583 = arith.constant 0.000000e+00 : f32
      %broadcast_in_dim3A_584 = vector.broadcast %broadcast_in_dim3A_583 : f32 to vector<16xf32>
      %swap3A_585 = arith.index_cast %scan3A_562 : i32 to index
      %swap3A_586 = arith.constant 48 : index
      %swap3A_587 = tpu.vector_load %arg8[%swap3A_585, %swap3A_586] {strides = array<i32>} : memref<40x128xf32, #tpu.memory_space<vmem>>, vector<1x16xf32>,
      %swap3A_588 = vector.shape_cast %swap3A_587 : vector<1x16xf32> to vector<16xf32>
      %swap3A_589 = vector.shape_cast %broadcast_in_dim3A_584 : vector<16xf32> to vector<1x16xf32>
      tpu.vector_store %arg8[%swap3A_585, %swap3A_586], %swap3A_589 {strides = array<i32>} : memref<40x128xf32, #tpu.memory_space<vmem>>, vector<1x16xf32>,
      %broadcast_in_dim3A_590 = arith.constant 0.000000e+00 : f32
      %broadcast_in_dim3A_591 = vector.broadcast %broadcast_in_dim3A_590 : f32 to vector<16xf32>
      %swap3A_592 = arith.index_cast %scan3A_562 : i32 to index
      %swap3A_593 = arith.constant 64 : index
      %swap3A_594 = tpu.vector_load %arg8[%swap3A_592, %swap3A_593] {strides = array<i32>} : memref<40x128xf32, #tpu.memory_space<vmem>>, vector<1x16xf32>,
      %swap3A_595 = vector.shape_cast %swap3A_594 : vector<1x16xf32> to vector<16xf32>
      %swap3A_596 = vector.shape_cast %broadcast_in_dim3A_591 : vector<16xf32> to vector<1x16xf32>
      tpu.vector_store %arg8[%swap3A_592, %swap3A_593], %swap3A_596 {strides = array<i32>} : memref<40x128xf32, #tpu.memory_space<vmem>>, vector<1x16xf32>,
      %broadcast_in_dim3A_597 = arith.constant 0.000000e+00 : f32
      %broadcast_in_dim3A_598 = vector.broadcast %broadcast_in_dim3A_597 : f32 to vector<16xf32>
      %swap3A_599 = arith.index_cast %scan3A_562 : i32 to index
      %swap3A_600 = arith.constant 80 : index
      %swap3A_601 = tpu.vector_load %arg8[%swap3A_599, %swap3A_600] {strides = array<i32>} : memref<40x128xf32, #tpu.memory_space<vmem>>, vector<1x16xf32>,
      %swap3A_602 = vector.shape_cast %swap3A_601 : vector<1x16xf32> to vector<16xf32>
      %swap3A_603 = vector.shape_cast %broadcast_in_dim3A_598 : vector<16xf32> to vector<1x16xf32>
      tpu.vector_store %arg8[%swap3A_599, %swap3A_600], %swap3A_603 {strides = array<i32>} : memref<40x128xf32, #tpu.memory_space<vmem>>, vector<1x16xf32>,
      %broadcast_in_dim3A_604 = arith.constant 0.000000e+00 : f32
      %broadcast_in_dim3A_605 = vector.broadcast %broadcast_in_dim3A_604 : f32 to vector<16xf32>
      %swap3A_606 = arith.index_cast %scan3A_562 : i32 to index
      %swap3A_607 = arith.constant 96 : index
      %swap3A_608 = tpu.vector_load %arg8[%swap3A_606, %swap3A_607] {strides = array<i32>} : memref<40x128xf32, #tpu.memory_space<vmem>>, vector<1x16xf32>,
      %swap3A_609 = vector.shape_cast %swap3A_608 : vector<1x16xf32> to vector<16xf32>
      %swap3A_610 = vector.shape_cast %broadcast_in_dim3A_605 : vector<16xf32> to vector<1x16xf32>
      tpu.vector_store %arg8[%swap3A_606, %swap3A_607], %swap3A_610 {strides = array<i32>} : memref<40x128xf32, #tpu.memory_space<vmem>>, vector<1x16xf32>,
      %broadcast_in_dim3A_611 = arith.constant 0.000000e+00 : f32
      %broadcast_in_dim3A_612 = vector.broadcast %broadcast_in_dim3A_611 : f32 to vector<16xf32>
      %swap3A_613 = arith.index_cast %scan3A_562 : i32 to index
      %swap3A_614 = arith.constant 112 : index
      %swap3A_615 = tpu.vector_load %arg8[%swap3A_613, %swap3A_614] {strides = array<i32>} : memref<40x128xf32, #tpu.memory_space<vmem>>, vector<1x16xf32>,
      %swap3A_616 = vector.shape_cast %swap3A_615 : vector<1x16xf32> to vector<16xf32>
      %swap3A_617 = vector.shape_cast %broadcast_in_dim3A_612 : vector<16xf32> to vector<1x16xf32>
      tpu.vector_store %arg8[%swap3A_613, %swap3A_614], %swap3A_617 {strides = array<i32>} : memref<40x128xf32, #tpu.memory_space<vmem>>, vector<1x16xf32>,
      %scan3A_618 = arith.constant 0 : i32
      scf.yield %scan3A_618 : i32
    }
    %scan3A_11 = arith.constant 40 : i32
    %mul3A_12 = arith.constant 640 : i32
    %mul3A_13 = arith.muli %arg1, %mul3A_12 : i32
    %add3A_14 = arith.constant 0 : i32
    %add3A_15 = arith.addi %mul3A_13, %add3A_14 : i32
    %dma_start3A_16 = arith.constant 0 : i32
    %dma_start3A_17 = tpu.memref_slice %arg13[%add3A_15, %dma_start3A_16] : memref<10240x128xf32, #tpu.memory_space<vmem_shared>> -> memref<40x128xf32, #tpu.memory_space<vmem_shared>>
    %dma_start3A_18 = arith.constant 0 : i32
    %dma_start3A_19 = tpu.memref_slice %arg13[%add3A_15, %dma_start3A_18] : memref<10240x128xf32, #tpu.memory_space<vmem_shared>> -> memref<40x128xf32, #tpu.memory_space<vmem_shared>>
    tpu.enqueue_dma source(%arg8 : memref<40x128xf32, #tpu.memory_space<vmem>>) target(%dma_start3A_19 : memref<40x128xf32, #tpu.memory_space<vmem_shared>>) target_semaphore(%arg19 : memref<!tpu.dma_semaphore, #tpu.memory_space<semaphore_mem>>)
    %add3A_20 = arith.constant 40 : i32
    %add3A_21 = arith.addi %mul3A_13, %add3A_20 : i32
    %dma_start3A_22 = arith.constant 0 : i32
    %dma_start3A_23 = tpu.memref_slice %arg13[%add3A_21, %dma_start3A_22] : memref<10240x128xf32, #tpu.memory_space<vmem_shared>> -> memref<40x128xf32, #tpu.memory_space<vmem_shared>>
    %dma_start3A_24 = arith.constant 0 : i32
    %dma_start3A_25 = tpu.memref_slice %arg13[%add3A_21, %dma_start3A_24] : memref<10240x128xf32, #tpu.memory_space<vmem_shared>> -> memref<40x128xf32, #tpu.memory_space<vmem_shared>>
    tpu.enqueue_dma source(%arg8 : memref<40x128xf32, #tpu.memory_space<vmem>>) target(%dma_start3A_25 : memref<40x128xf32, #tpu.memory_space<vmem_shared>>) target_semaphore(%arg20 : memref<!tpu.dma_semaphore, #tpu.memory_space<semaphore_mem>>)
    %add3A_26 = arith.constant 80 : i32
    %add3A_27 = arith.addi %mul3A_13, %add3A_26 : i32
    %dma_start3A_28 = arith.constant 0 : i32
    %dma_start3A_29 = tpu.memref_slice %arg13[%add3A_27, %dma_start3A_28] : memref<10240x128xf32, #tpu.memory_space<vmem_shared>> -> memref<40x128xf32, #tpu.memory_space<vmem_shared>>
    %dma_start3A_30 = arith.constant 0 : i32
    %dma_start3A_31 = tpu.memref_slice %arg13[%add3A_27, %dma_start3A_30] : memref<10240x128xf32, #tpu.memory_space<vmem_shared>> -> memref<40x128xf32, #tpu.memory_space<vmem_shared>>
    tpu.enqueue_dma source(%arg8 : memref<40x128xf32, #tpu.memory_space<vmem>>) target(%dma_start3A_31 : memref<40x128xf32, #tpu.memory_space<vmem_shared>>) target_semaphore(%arg21 : memref<!tpu.dma_semaphore, #tpu.memory_space<semaphore_mem>>)
    %add3A_32 = arith.constant 120 : i32
    %add3A_33 = arith.addi %mul3A_13, %add3A_32 : i32
    %dma_start3A_34 = arith.constant 0 : i32
    %dma_start3A_35 = tpu.memref_slice %arg13[%add3A_33, %dma_start3A_34] : memref<10240x128xf32, #tpu.memory_space<vmem_shared>> -> memref<40x128xf32, #tpu.memory_space<vmem_shared>>
    %dma_start3A_36 = arith.constant 0 : i32
    %dma_start3A_37 = tpu.memref_slice %arg13[%add3A_33, %dma_start3A_36] : memref<10240x128xf32, #tpu.memory_space<vmem_shared>> -> memref<40x128xf32, #tpu.memory_space<vmem_shared>>
    tpu.enqueue_dma source(%arg8 : memref<40x128xf32, #tpu.memory_space<vmem>>) target(%dma_start3A_37 : memref<40x128xf32, #tpu.memory_space<vmem_shared>>) target_semaphore(%arg22 : memref<!tpu.dma_semaphore, #tpu.memory_space<semaphore_mem>>)
    %add3A_38 = arith.constant 160 : i32
    %add3A_39 = arith.addi %mul3A_13, %add3A_38 : i32
    %dma_start3A_40 = arith.constant 0 : i32
    %dma_start3A_41 = tpu.memref_slice %arg13[%add3A_39, %dma_start3A_40] : memref<10240x128xf32, #tpu.memory_space<vmem_shared>> -> memref<40x128xf32, #tpu.memory_space<vmem_shared>>
    %dma_start3A_42 = arith.constant 0 : i32
    %dma_start3A_43 = tpu.memref_slice %arg13[%add3A_39, %dma_start3A_42] : memref<10240x128xf32, #tpu.memory_space<vmem_shared>> -> memref<40x128xf32, #tpu.memory_space<vmem_shared>>
    tpu.enqueue_dma source(%arg8 : memref<40x128xf32, #tpu.memory_space<vmem>>) target(%dma_start3A_43 : memref<40x128xf32, #tpu.memory_space<vmem_shared>>) target_semaphore(%arg23 : memref<!tpu.dma_semaphore, #tpu.memory_space<semaphore_mem>>)
    %add3A_44 = arith.constant 200 : i32
    %add3A_45 = arith.addi %mul3A_13, %add3A_44 : i32
    %dma_start3A_46 = arith.constant 0 : i32
    %dma_start3A_47 = tpu.memref_slice %arg13[%add3A_45, %dma_start3A_46] : memref<10240x128xf32, #tpu.memory_space<vmem_shared>> -> memref<40x128xf32, #tpu.memory_space<vmem_shared>>
    %dma_start3A_48 = arith.constant 0 : i32
    %dma_start3A_49 = tpu.memref_slice %arg13[%add3A_45, %dma_start3A_48] : memref<10240x128xf32, #tpu.memory_space<vmem_shared>> -> memref<40x128xf32, #tpu.memory_space<vmem_shared>>
    tpu.enqueue_dma source(%arg8 : memref<40x128xf32, #tpu.memory_space<vmem>>) target(%dma_start3A_49 : memref<40x128xf32, #tpu.memory_space<vmem_shared>>) target_semaphore(%arg19 : memref<!tpu.dma_semaphore, #tpu.memory_space<semaphore_mem>>)
    %add3A_50 = arith.constant 240 : i32
    %add3A_51 = arith.addi %mul3A_13, %add3A_50 : i32
    %dma_start3A_52 = arith.constant 0 : i32
    %dma_start3A_53 = tpu.memref_slice %arg13[%add3A_51, %dma_start3A_52] : memref<10240x128xf32, #tpu.memory_space<vmem_shared>> -> memref<40x128xf32, #tpu.memory_space<vmem_shared>>
    %dma_start3A_54 = arith.constant 0 : i32
    %dma_start3A_55 = tpu.memref_slice %arg13[%add3A_51, %dma_start3A_54] : memref<10240x128xf32, #tpu.memory_space<vmem_shared>> -> memref<40x128xf32, #tpu.memory_space<vmem_shared>>
    tpu.enqueue_dma source(%arg8 : memref<40x128xf32, #tpu.memory_space<vmem>>) target(%dma_start3A_55 : memref<40x128xf32, #tpu.memory_space<vmem_shared>>) target_semaphore(%arg20 : memref<!tpu.dma_semaphore, #tpu.memory_space<semaphore_mem>>)
    %add3A_56 = arith.constant 280 : i32
    %add3A_57 = arith.addi %mul3A_13, %add3A_56 : i32
    %dma_start3A_58 = arith.constant 0 : i32
    %dma_start3A_59 = tpu.memref_slice %arg13[%add3A_57, %dma_start3A_58] : memref<10240x128xf32, #tpu.memory_space<vmem_shared>> -> memref<40x128xf32, #tpu.memory_space<vmem_shared>>
    %dma_start3A_60 = arith.constant 0 : i32
    %dma_start3A_61 = tpu.memref_slice %arg13[%add3A_57, %dma_start3A_60] : memref<10240x128xf32, #tpu.memory_space<vmem_shared>> -> memref<40x128xf32, #tpu.memory_space<vmem_shared>>
    tpu.enqueue_dma source(%arg8 : memref<40x128xf32, #tpu.memory_space<vmem>>) target(%dma_start3A_61 : memref<40x128xf32, #tpu.memory_space<vmem_shared>>) target_semaphore(%arg21 : memref<!tpu.dma_semaphore, #tpu.memory_space<semaphore_mem>>)
    %add3A_62 = arith.constant 320 : i32
    %add3A_63 = arith.addi %mul3A_13, %add3A_62 : i32
    %dma_start3A_64 = arith.constant 0 : i32
    %dma_start3A_65 = tpu.memref_slice %arg13[%add3A_63, %dma_start3A_64] : memref<10240x128xf32, #tpu.memory_space<vmem_shared>> -> memref<40x128xf32, #tpu.memory_space<vmem_shared>>
    %dma_start3A_66 = arith.constant 0 : i32
    %dma_start3A_67 = tpu.memref_slice %arg13[%add3A_63, %dma_start3A_66] : memref<10240x128xf32, #tpu.memory_space<vmem_shared>> -> memref<40x128xf32, #tpu.memory_space<vmem_shared>>
    tpu.enqueue_dma source(%arg8 : memref<40x128xf32, #tpu.memory_space<vmem>>) target(%dma_start3A_67 : memref<40x128xf32, #tpu.memory_space<vmem_shared>>) target_semaphore(%arg22 : memref<!tpu.dma_semaphore, #tpu.memory_space<semaphore_mem>>)
    %add3A_68 = arith.constant 360 : i32
    %add3A_69 = arith.addi %mul3A_13, %add3A_68 : i32
    %dma_start3A_70 = arith.constant 0 : i32
    %dma_start3A_71 = tpu.memref_slice %arg13[%add3A_69, %dma_start3A_70] : memref<10240x128xf32, #tpu.memory_space<vmem_shared>> -> memref<40x128xf32, #tpu.memory_space<vmem_shared>>
    %dma_start3A_72 = arith.constant 0 : i32
    %dma_start3A_73 = tpu.memref_slice %arg13[%add3A_69, %dma_start3A_72] : memref<10240x128xf32, #tpu.memory_space<vmem_shared>> -> memref<40x128xf32, #tpu.memory_space<vmem_shared>>
    tpu.enqueue_dma source(%arg8 : memref<40x128xf32, #tpu.memory_space<vmem>>) target(%dma_start3A_73 : memref<40x128xf32, #tpu.memory_space<vmem_shared>>) target_semaphore(%arg23 : memref<!tpu.dma_semaphore, #tpu.memory_space<semaphore_mem>>)
    %add3A_74 = arith.constant 400 : i32
    %add3A_75 = arith.addi %mul3A_13, %add3A_74 : i32
    %dma_start3A_76 = arith.constant 0 : i32
    %dma_start3A_77 = tpu.memref_slice %arg13[%add3A_75, %dma_start3A_76] : memref<10240x128xf32, #tpu.memory_space<vmem_shared>> -> memref<40x128xf32, #tpu.memory_space<vmem_shared>>
    %dma_start3A_78 = arith.constant 0 : i32
    %dma_start3A_79 = tpu.memref_slice %arg13[%add3A_75, %dma_start3A_78] : memref<10240x128xf32, #tpu.memory_space<vmem_shared>> -> memref<40x128xf32, #tpu.memory_space<vmem_shared>>
    tpu.enqueue_dma source(%arg8 : memref<40x128xf32, #tpu.memory_space<vmem>>) target(%dma_start3A_79 : memref<40x128xf32, #tpu.memory_space<vmem_shared>>) target_semaphore(%arg19 : memref<!tpu.dma_semaphore, #tpu.memory_space<semaphore_mem>>)
    %add3A_80 = arith.constant 440 : i32
    %add3A_81 = arith.addi %mul3A_13, %add3A_80 : i32
    %dma_start3A_82 = arith.constant 0 : i32
    %dma_start3A_83 = tpu.memref_slice %arg13[%add3A_81, %dma_start3A_82] : memref<10240x128xf32, #tpu.memory_space<vmem_shared>> -> memref<40x128xf32, #tpu.memory_space<vmem_shared>>
    %dma_start3A_84 = arith.constant 0 : i32
    %dma_start3A_85 = tpu.memref_slice %arg13[%add3A_81, %dma_start3A_84] : memref<10240x128xf32, #tpu.memory_space<vmem_shared>> -> memref<40x128xf32, #tpu.memory_space<vmem_shared>>
    tpu.enqueue_dma source(%arg8 : memref<40x128xf32, #tpu.memory_space<vmem>>) target(%dma_start3A_85 : memref<40x128xf32, #tpu.memory_space<vmem_shared>>) target_semaphore(%arg20 : memref<!tpu.dma_semaphore, #tpu.memory_space<semaphore_mem>>)
    %add3A_86 = arith.constant 480 : i32
    %add3A_87 = arith.addi %mul3A_13, %add3A_86 : i32
    %dma_start3A_88 = arith.constant 0 : i32
    %dma_start3A_89 = tpu.memref_slice %arg13[%add3A_87, %dma_start3A_88] : memref<10240x128xf32, #tpu.memory_space<vmem_shared>> -> memref<40x128xf32, #tpu.memory_space<vmem_shared>>
    %dma_start3A_90 = arith.constant 0 : i32
    %dma_start3A_91 = tpu.memref_slice %arg13[%add3A_87, %dma_start3A_90] : memref<10240x128xf32, #tpu.memory_space<vmem_shared>> -> memref<40x128xf32, #tpu.memory_space<vmem_shared>>
    tpu.enqueue_dma source(%arg8 : memref<40x128xf32, #tpu.memory_space<vmem>>) target(%dma_start3A_91 : memref<40x128xf32, #tpu.memory_space<vmem_shared>>) target_semaphore(%arg21 : memref<!tpu.dma_semaphore, #tpu.memory_space<semaphore_mem>>)
    %add3A_92 = arith.constant 520 : i32
    %add3A_93 = arith.addi %mul3A_13, %add3A_92 : i32
    %dma_start3A_94 = arith.constant 0 : i32
    %dma_start3A_95 = tpu.memref_slice %arg13[%add3A_93, %dma_start3A_94] : memref<10240x128xf32, #tpu.memory_space<vmem_shared>> -> memref<40x128xf32, #tpu.memory_space<vmem_shared>>
    %dma_start3A_96 = arith.constant 0 : i32
    %dma_start3A_97 = tpu.memref_slice %arg13[%add3A_93, %dma_start3A_96] : memref<10240x128xf32, #tpu.memory_space<vmem_shared>> -> memref<40x128xf32, #tpu.memory_space<vmem_shared>>
    tpu.enqueue_dma source(%arg8 : memref<40x128xf32, #tpu.memory_space<vmem>>) target(%dma_start3A_97 : memref<40x128xf32, #tpu.memory_space<vmem_shared>>) target_semaphore(%arg22 : memref<!tpu.dma_semaphore, #tpu.memory_space<semaphore_mem>>)
    %add3A_98 = arith.constant 560 : i32
    %add3A_99 = arith.addi %mul3A_13, %add3A_98 : i32
    %dma_start3A_100 = arith.constant 0 : i32
    %dma_start3A_101 = tpu.memref_slice %arg13[%add3A_99, %dma_start3A_100] : memref<10240x128xf32, #tpu.memory_space<vmem_shared>> -> memref<40x128xf32, #tpu.memory_space<vmem_shared>>
    %dma_start3A_102 = arith.constant 0 : i32
    %dma_start3A_103 = tpu.memref_slice %arg13[%add3A_99, %dma_start3A_102] : memref<10240x128xf32, #tpu.memory_space<vmem_shared>> -> memref<40x128xf32, #tpu.memory_space<vmem_shared>>
    tpu.enqueue_dma source(%arg8 : memref<40x128xf32, #tpu.memory_space<vmem>>) target(%dma_start3A_103 : memref<40x128xf32, #tpu.memory_space<vmem_shared>>) target_semaphore(%arg23 : memref<!tpu.dma_semaphore, #tpu.memory_space<semaphore_mem>>)
    %add3A_104 = arith.constant 600 : i32
    %add3A_105 = arith.addi %mul3A_13, %add3A_104 : i32
    %dma_start3A_106 = arith.constant 0 : i32
    %dma_start3A_107 = tpu.memref_slice %arg13[%add3A_105, %dma_start3A_106] : memref<10240x128xf32, #tpu.memory_space<vmem_shared>> -> memref<40x128xf32, #tpu.memory_space<vmem_shared>>
    %dma_start3A_108 = arith.constant 0 : i32
    %dma_start3A_109 = tpu.memref_slice %arg13[%add3A_105, %dma_start3A_108] : memref<10240x128xf32, #tpu.memory_space<vmem_shared>> -> memref<40x128xf32, #tpu.memory_space<vmem_shared>>
    tpu.enqueue_dma source(%arg8 : memref<40x128xf32, #tpu.memory_space<vmem>>) target(%dma_start3A_109 : memref<40x128xf32, #tpu.memory_space<vmem_shared>>) target_semaphore(%arg19 : memref<!tpu.dma_semaphore, #tpu.memory_space<semaphore_mem>>)
    %add3A_110 = arith.constant 0 : i32
    %add3A_111 = arith.addi %mul3A_13, %add3A_110 : i32
    %dma_wait3A = arith.constant 0 : i32
    %dma_wait3A_112 = tpu.memref_slice %arg13[%add3A_111, %dma_wait3A] : memref<10240x128xf32, #tpu.memory_space<vmem_shared>> -> memref<40x128xf32, #tpu.memory_space<vmem_shared>>
    %dma_wait3A_113 = arith.constant 0 : i32
    %dma_wait3A_114 = tpu.memref_slice %arg13[%add3A_111, %dma_wait3A_113] : memref<10240x128xf32, #tpu.memory_space<vmem_shared>> -> memref<40x128xf32, #tpu.memory_space<vmem_shared>>
    tpu.wait_dma2 semaphore(%arg19 : memref<!tpu.dma_semaphore, #tpu.memory_space<semaphore_mem>>) src(%arg8 : memref<40x128xf32, #tpu.memory_space<vmem>>) dst(%dma_wait3A_114 : memref<40x128xf32, #tpu.memory_space<vmem_shared>>)
    %add3A_115 = arith.constant 40 : i32
    %add3A_116 = arith.addi %mul3A_13, %add3A_115 : i32
    %dma_wait3A_117 = arith.constant 0 : i32
    %dma_wait3A_118 = tpu.memref_slice %arg13[%add3A_116, %dma_wait3A_117] : memref<10240x128xf32, #tpu.memory_space<vmem_shared>> -> memref<40x128xf32, #tpu.memory_space<vmem_shared>>
    %dma_wait3A_119 = arith.constant 0 : i32
    %dma_wait3A_120 = tpu.memref_slice %arg13[%add3A_116, %dma_wait3A_119] : memref<10240x128xf32, #tpu.memory_space<vmem_shared>> -> memref<40x128xf32, #tpu.memory_space<vmem_shared>>
    tpu.wait_dma2 semaphore(%arg20 : memref<!tpu.dma_semaphore, #tpu.memory_space<semaphore_mem>>) src(%arg8 : memref<40x128xf32, #tpu.memory_space<vmem>>) dst(%dma_wait3A_120 : memref<40x128xf32, #tpu.memory_space<vmem_shared>>)
    %add3A_121 = arith.constant 80 : i32
    %add3A_122 = arith.addi %mul3A_13, %add3A_121 : i32
    %dma_wait3A_123 = arith.constant 0 : i32
    %dma_wait3A_124 = tpu.memref_slice %arg13[%add3A_122, %dma_wait3A_123] : memref<10240x128xf32, #tpu.memory_space<vmem_shared>> -> memref<40x128xf32, #tpu.memory_space<vmem_shared>>
    %dma_wait3A_125 = arith.constant 0 : i32
    %dma_wait3A_126 = tpu.memref_slice %arg13[%add3A_122, %dma_wait3A_125] : memref<10240x128xf32, #tpu.memory_space<vmem_shared>> -> memref<40x128xf32, #tpu.memory_space<vmem_shared>>
    tpu.wait_dma2 semaphore(%arg21 : memref<!tpu.dma_semaphore, #tpu.memory_space<semaphore_mem>>) src(%arg8 : memref<40x128xf32, #tpu.memory_space<vmem>>) dst(%dma_wait3A_126 : memref<40x128xf32, #tpu.memory_space<vmem_shared>>)
    %add3A_127 = arith.constant 120 : i32
    %add3A_128 = arith.addi %mul3A_13, %add3A_127 : i32
    %dma_wait3A_129 = arith.constant 0 : i32
    %dma_wait3A_130 = tpu.memref_slice %arg13[%add3A_128, %dma_wait3A_129] : memref<10240x128xf32, #tpu.memory_space<vmem_shared>> -> memref<40x128xf32, #tpu.memory_space<vmem_shared>>
    %dma_wait3A_131 = arith.constant 0 : i32
    %dma_wait3A_132 = tpu.memref_slice %arg13[%add3A_128, %dma_wait3A_131] : memref<10240x128xf32, #tpu.memory_space<vmem_shared>> -> memref<40x128xf32, #tpu.memory_space<vmem_shared>>
    tpu.wait_dma2 semaphore(%arg22 : memref<!tpu.dma_semaphore, #tpu.memory_space<semaphore_mem>>) src(%arg8 : memref<40x128xf32, #tpu.memory_space<vmem>>) dst(%dma_wait3A_132 : memref<40x128xf32, #tpu.memory_space<vmem_shared>>)
    %add3A_133 = arith.constant 160 : i32
    %add3A_134 = arith.addi %mul3A_13, %add3A_133 : i32
    %dma_wait3A_135 = arith.constant 0 : i32
    %dma_wait3A_136 = tpu.memref_slice %arg13[%add3A_134, %dma_wait3A_135] : memref<10240x128xf32, #tpu.memory_space<vmem_shared>> -> memref<40x128xf32, #tpu.memory_space<vmem_shared>>
    %dma_wait3A_137 = arith.constant 0 : i32
    %dma_wait3A_138 = tpu.memref_slice %arg13[%add3A_134, %dma_wait3A_137] : memref<10240x128xf32, #tpu.memory_space<vmem_shared>> -> memref<40x128xf32, #tpu.memory_space<vmem_shared>>
    tpu.wait_dma2 semaphore(%arg23 : memref<!tpu.dma_semaphore, #tpu.memory_space<semaphore_mem>>) src(%arg8 : memref<40x128xf32, #tpu.memory_space<vmem>>) dst(%dma_wait3A_138 : memref<40x128xf32, #tpu.memory_space<vmem_shared>>)
    %add3A_139 = arith.constant 200 : i32
    %add3A_140 = arith.addi %mul3A_13, %add3A_139 : i32
    %dma_wait3A_141 = arith.constant 0 : i32
    %dma_wait3A_142 = tpu.memref_slice %arg13[%add3A_140, %dma_wait3A_141] : memref<10240x128xf32, #tpu.memory_space<vmem_shared>> -> memref<40x128xf32, #tpu.memory_space<vmem_shared>>
    %dma_wait3A_143 = arith.constant 0 : i32
    %dma_wait3A_144 = tpu.memref_slice %arg13[%add3A_140, %dma_wait3A_143] : memref<10240x128xf32, #tpu.memory_space<vmem_shared>> -> memref<40x128xf32, #tpu.memory_space<vmem_shared>>
    tpu.wait_dma2 semaphore(%arg19 : memref<!tpu.dma_semaphore, #tpu.memory_space<semaphore_mem>>) src(%arg8 : memref<40x128xf32, #tpu.memory_space<vmem>>) dst(%dma_wait3A_144 : memref<40x128xf32, #tpu.memory_space<vmem_shared>>)
    %add3A_145 = arith.constant 240 : i32
    %add3A_146 = arith.addi %mul3A_13, %add3A_145 : i32
    %dma_wait3A_147 = arith.constant 0 : i32
    %dma_wait3A_148 = tpu.memref_slice %arg13[%add3A_146, %dma_wait3A_147] : memref<10240x128xf32, #tpu.memory_space<vmem_shared>> -> memref<40x128xf32, #tpu.memory_space<vmem_shared>>
    %dma_wait3A_149 = arith.constant 0 : i32
    %dma_wait3A_150 = tpu.memref_slice %arg13[%add3A_146, %dma_wait3A_149] : memref<10240x128xf32, #tpu.memory_space<vmem_shared>> -> memref<40x128xf32, #tpu.memory_space<vmem_shared>>
    tpu.wait_dma2 semaphore(%arg20 : memref<!tpu.dma_semaphore, #tpu.memory_space<semaphore_mem>>) src(%arg8 : memref<40x128xf32, #tpu.memory_space<vmem>>) dst(%dma_wait3A_150 : memref<40x128xf32, #tpu.memory_space<vmem_shared>>)
    %add3A_151 = arith.constant 280 : i32
    %add3A_152 = arith.addi %mul3A_13, %add3A_151 : i32
    %dma_wait3A_153 = arith.constant 0 : i32
    %dma_wait3A_154 = tpu.memref_slice %arg13[%add3A_152, %dma_wait3A_153] : memref<10240x128xf32, #tpu.memory_space<vmem_shared>> -> memref<40x128xf32, #tpu.memory_space<vmem_shared>>
    %dma_wait3A_155 = arith.constant 0 : i32
    %dma_wait3A_156 = tpu.memref_slice %arg13[%add3A_152, %dma_wait3A_155] : memref<10240x128xf32, #tpu.memory_space<vmem_shared>> -> memref<40x128xf32, #tpu.memory_space<vmem_shared>>
    tpu.wait_dma2 semaphore(%arg21 : memref<!tpu.dma_semaphore, #tpu.memory_space<semaphore_mem>>) src(%arg8 : memref<40x128xf32, #tpu.memory_space<vmem>>) dst(%dma_wait3A_156 : memref<40x128xf32, #tpu.memory_space<vmem_shared>>)
    %add3A_157 = arith.constant 320 : i32
    %add3A_158 = arith.addi %mul3A_13, %add3A_157 : i32
    %dma_wait3A_159 = arith.constant 0 : i32
    %dma_wait3A_160 = tpu.memref_slice %arg13[%add3A_158, %dma_wait3A_159] : memref<10240x128xf32, #tpu.memory_space<vmem_shared>> -> memref<40x128xf32, #tpu.memory_space<vmem_shared>>
    %dma_wait3A_161 = arith.constant 0 : i32
    %dma_wait3A_162 = tpu.memref_slice %arg13[%add3A_158, %dma_wait3A_161] : memref<10240x128xf32, #tpu.memory_space<vmem_shared>> -> memref<40x128xf32, #tpu.memory_space<vmem_shared>>
    tpu.wait_dma2 semaphore(%arg22 : memref<!tpu.dma_semaphore, #tpu.memory_space<semaphore_mem>>) src(%arg8 : memref<40x128xf32, #tpu.memory_space<vmem>>) dst(%dma_wait3A_162 : memref<40x128xf32, #tpu.memory_space<vmem_shared>>)
    %add3A_163 = arith.constant 360 : i32
    %add3A_164 = arith.addi %mul3A_13, %add3A_163 : i32
    %dma_wait3A_165 = arith.constant 0 : i32
    %dma_wait3A_166 = tpu.memref_slice %arg13[%add3A_164, %dma_wait3A_165] : memref<10240x128xf32, #tpu.memory_space<vmem_shared>> -> memref<40x128xf32, #tpu.memory_space<vmem_shared>>
    %dma_wait3A_167 = arith.constant 0 : i32
    %dma_wait3A_168 = tpu.memref_slice %arg13[%add3A_164, %dma_wait3A_167] : memref<10240x128xf32, #tpu.memory_space<vmem_shared>> -> memref<40x128xf32, #tpu.memory_space<vmem_shared>>
    tpu.wait_dma2 semaphore(%arg23 : memref<!tpu.dma_semaphore, #tpu.memory_space<semaphore_mem>>) src(%arg8 : memref<40x128xf32, #tpu.memory_space<vmem>>) dst(%dma_wait3A_168 : memref<40x128xf32, #tpu.memory_space<vmem_shared>>)
    %add3A_169 = arith.constant 400 : i32
    %add3A_170 = arith.addi %mul3A_13, %add3A_169 : i32
    %dma_wait3A_171 = arith.constant 0 : i32
    %dma_wait3A_172 = tpu.memref_slice %arg13[%add3A_170, %dma_wait3A_171] : memref<10240x128xf32, #tpu.memory_space<vmem_shared>> -> memref<40x128xf32, #tpu.memory_space<vmem_shared>>
    %dma_wait3A_173 = arith.constant 0 : i32
    %dma_wait3A_174 = tpu.memref_slice %arg13[%add3A_170, %dma_wait3A_173] : memref<10240x128xf32, #tpu.memory_space<vmem_shared>> -> memref<40x128xf32, #tpu.memory_space<vmem_shared>>
    tpu.wait_dma2 semaphore(%arg19 : memref<!tpu.dma_semaphore, #tpu.memory_space<semaphore_mem>>) src(%arg8 : memref<40x128xf32, #tpu.memory_space<vmem>>) dst(%dma_wait3A_174 : memref<40x128xf32, #tpu.memory_space<vmem_shared>>)
    %add3A_175 = arith.constant 440 : i32
    %add3A_176 = arith.addi %mul3A_13, %add3A_175 : i32
    %dma_wait3A_177 = arith.constant 0 : i32
    %dma_wait3A_178 = tpu.memref_slice %arg13[%add3A_176, %dma_wait3A_177] : memref<10240x128xf32, #tpu.memory_space<vmem_shared>> -> memref<40x128xf32, #tpu.memory_space<vmem_shared>>
    %dma_wait3A_179 = arith.constant 0 : i32
    %dma_wait3A_180 = tpu.memref_slice %arg13[%add3A_176, %dma_wait3A_179] : memref<10240x128xf32, #tpu.memory_space<vmem_shared>> -> memref<40x128xf32, #tpu.memory_space<vmem_shared>>
    tpu.wait_dma2 semaphore(%arg20 : memref<!tpu.dma_semaphore, #tpu.memory_space<semaphore_mem>>) src(%arg8 : memref<40x128xf32, #tpu.memory_space<vmem>>) dst(%dma_wait3A_180 : memref<40x128xf32, #tpu.memory_space<vmem_shared>>)
    %add3A_181 = arith.constant 480 : i32
    %add3A_182 = arith.addi %mul3A_13, %add3A_181 : i32
    %dma_wait3A_183 = arith.constant 0 : i32
    %dma_wait3A_184 = tpu.memref_slice %arg13[%add3A_182, %dma_wait3A_183] : memref<10240x128xf32, #tpu.memory_space<vmem_shared>> -> memref<40x128xf32, #tpu.memory_space<vmem_shared>>
    %dma_wait3A_185 = arith.constant 0 : i32
    %dma_wait3A_186 = tpu.memref_slice %arg13[%add3A_182, %dma_wait3A_185] : memref<10240x128xf32, #tpu.memory_space<vmem_shared>> -> memref<40x128xf32, #tpu.memory_space<vmem_shared>>
    tpu.wait_dma2 semaphore(%arg21 : memref<!tpu.dma_semaphore, #tpu.memory_space<semaphore_mem>>) src(%arg8 : memref<40x128xf32, #tpu.memory_space<vmem>>) dst(%dma_wait3A_186 : memref<40x128xf32, #tpu.memory_space<vmem_shared>>)
    %add3A_187 = arith.constant 520 : i32
    %add3A_188 = arith.addi %mul3A_13, %add3A_187 : i32
    %dma_wait3A_189 = arith.constant 0 : i32
    %dma_wait3A_190 = tpu.memref_slice %arg13[%add3A_188, %dma_wait3A_189] : memref<10240x128xf32, #tpu.memory_space<vmem_shared>> -> memref<40x128xf32, #tpu.memory_space<vmem_shared>>
    %dma_wait3A_191 = arith.constant 0 : i32
    %dma_wait3A_192 = tpu.memref_slice %arg13[%add3A_188, %dma_wait3A_191] : memref<10240x128xf32, #tpu.memory_space<vmem_shared>> -> memref<40x128xf32, #tpu.memory_space<vmem_shared>>
    tpu.wait_dma2 semaphore(%arg22 : memref<!tpu.dma_semaphore, #tpu.memory_space<semaphore_mem>>) src(%arg8 : memref<40x128xf32, #tpu.memory_space<vmem>>) dst(%dma_wait3A_192 : memref<40x128xf32, #tpu.memory_space<vmem_shared>>)
    %add3A_193 = arith.constant 560 : i32
    %add3A_194 = arith.addi %mul3A_13, %add3A_193 : i32
    %dma_wait3A_195 = arith.constant 0 : i32
    %dma_wait3A_196 = tpu.memref_slice %arg13[%add3A_194, %dma_wait3A_195] : memref<10240x128xf32, #tpu.memory_space<vmem_shared>> -> memref<40x128xf32, #tpu.memory_space<vmem_shared>>
    %dma_wait3A_197 = arith.constant 0 : i32
    %dma_wait3A_198 = tpu.memref_slice %arg13[%add3A_194, %dma_wait3A_197] : memref<10240x128xf32, #tpu.memory_space<vmem_shared>> -> memref<40x128xf32, #tpu.memory_space<vmem_shared>>
    tpu.wait_dma2 semaphore(%arg23 : memref<!tpu.dma_semaphore, #tpu.memory_space<semaphore_mem>>) src(%arg8 : memref<40x128xf32, #tpu.memory_space<vmem>>) dst(%dma_wait3A_198 : memref<40x128xf32, #tpu.memory_space<vmem_shared>>)
    %add3A_199 = arith.constant 600 : i32
    %add3A_200 = arith.addi %mul3A_13, %add3A_199 : i32
    %dma_wait3A_201 = arith.constant 0 : i32
    %dma_wait3A_202 = tpu.memref_slice %arg13[%add3A_200, %dma_wait3A_201] : memref<10240x128xf32, #tpu.memory_space<vmem_shared>> -> memref<40x128xf32, #tpu.memory_space<vmem_shared>>
    %dma_wait3A_203 = arith.constant 0 : i32
    %dma_wait3A_204 = tpu.memref_slice %arg13[%add3A_200, %dma_wait3A_203] : memref<10240x128xf32, #tpu.memory_space<vmem_shared>> -> memref<40x128xf32, #tpu.memory_space<vmem_shared>>
    tpu.wait_dma2 semaphore(%arg19 : memref<!tpu.dma_semaphore, #tpu.memory_space<semaphore_mem>>) src(%arg8 : memref<40x128xf32, #tpu.memory_space<vmem>>) dst(%dma_wait3A_204 : memref<40x128xf32, #tpu.memory_space<vmem_shared>>)
    %dma_wait3A_205 = tpu.memref_slice %arg3[%mul3A_2] : memref<320000xi32, #tpu.memory_space<hbm>> -> memref<10000xi32, #tpu.memory_space<hbm>>
    %dma_wait3A_206 = tpu.memref_slice %arg3[%mul3A_2] : memref<320000xi32, #tpu.memory_space<hbm>> -> memref<10000xi32, #tpu.memory_space<hbm>>
    tpu.wait_dma2 semaphore(%arg14 : memref<!tpu.dma_semaphore, #tpu.memory_space<semaphore_mem>>) src(%dma_wait3A_206 : memref<10000xi32, #tpu.memory_space<hbm>>) dst(%arg6 : memref<10000xi32, #tpu.memory_space<vmem>>)
    %dma_wait3A_207 = tpu.memref_slice %arg4[%mul3A_2] : memref<320000xi32, #tpu.memory_space<hbm>> -> memref<10000xi32, #tpu.memory_space<hbm>>
    %dma_wait3A_208 = tpu.memref_slice %arg4[%mul3A_2] : memref<320000xi32, #tpu.memory_space<hbm>> -> memref<10000xi32, #tpu.memory_space<hbm>>
    tpu.wait_dma2 semaphore(%arg15 : memref<!tpu.dma_semaphore, #tpu.memory_space<semaphore_mem>>) src(%dma_wait3A_208 : memref<10000xi32, #tpu.memory_space<hbm>>) dst(%arg7 : memref<10000xi32, #tpu.memory_space<vmem>>)
    %barrier3A = arith.constant 0 : index
    tpu.barrier barrier_id(%barrier3A)
    %scan3A_209 = arith.constant 0 : i32
    %scan3A_210 = arith.constant 0 : i32
    %scan3A_211 = arith.constant 50 : i32
    %scan3A_212 = arith.addi %scan3A_210, %scan3A_211 : i32
    %scan3A_213 = arith.constant 1 : i32
    %scan3A_214 = scf.for %scan3A_562 = %scan3A_210 to %scan3A_212 step %scan3A_213 iter_args(%scan3A_563 = %scan3A_209) -> (i32)  : i32 {
      %gt3A = arith.constant 0 : i32
      %gt3A_564 = arith.cmpi sgt, %scan3A_562, %gt3A : i32
      %convert_element_type3A = arith.extui %gt3A_564 : i1 to i32
      %cond3A = arith.constant 0 : i32
      %cond3A_565 = arith.cmpi ne, %convert_element_type3A, %cond3A : i32
      scf.if %cond3A_565 {
        %sub3A = arith.constant 1 : i32
        %sub3A_737 = arith.subi %scan3A_562, %sub3A : i32
        %mul3A_738 = arith.constant 5 : i32
        %mul3A_739 = arith.muli %sub3A_737, %mul3A_738 : i32
        %add3A_740 = arith.constant 0 : i32
        %add3A_741 = arith.addi %mul3A_739, %add3A_740 : i32
        %mul3A_742 = arith.constant 40 : i32
        %mul3A_743 = arith.muli %add3A_741, %mul3A_742 : i32
        %dma_wait3A_744 = tpu.memref_slice %arg7[%mul3A_743] : memref<10000xi32, #tpu.memory_space<vmem>> -> memref<40xi32, #tpu.memory_space<vmem>>
        %dma_wait3A_745 = arith.constant 0 : i32
        %dma_wait3A_746 = arith.constant 0 : i32
        %dma_wait3A_747 = tpu.memref_slice %arg13[%dma_wait3A_745, %dma_wait3A_746] : memref<10240x128xf32, #tpu.memory_space<vmem_shared>> -> memref<10240x128xf32, #tpu.memory_space<vmem_shared>>
        tpu.wait_indirect_dma semaphore(%arg19 : memref<!tpu.dma_semaphore, #tpu.memory_space<semaphore_mem>>) src(%arg8 : memref<40x128xf32, #tpu.memory_space<vmem>>) dst(%dma_wait3A_747 : memref<10240x128xf32, #tpu.memory_space<vmem_shared>>)
      } else {
      }
      %mul3A_566 = arith.constant 5 : i32
      %mul3A_567 = arith.muli %scan3A_562, %mul3A_566 : i32
      %add3A_568 = arith.constant 0 : i32
      %add3A_569 = arith.addi %mul3A_567, %add3A_568 : i32
      %mul3A_570 = arith.constant 40 : i32
      %mul3A_571 = arith.muli %add3A_569, %mul3A_570 : i32
      %dma_start3A_572 = tpu.memref_slice %arg6[%mul3A_571] : memref<10000xi32, #tpu.memory_space<vmem>> -> memref<40xi32, #tpu.memory_space<vmem>>
      %dma_start3A_573 = arith.constant 0 : i32
      %dma_start3A_574 = arith.constant 0 : i32
      %dma_start3A_575 = tpu.memref_slice %arg2[%dma_start3A_573, %dma_start3A_574] : memref<10000x128xf32, #tpu.memory_space<hbm>> -> memref<10000x128xf32, #tpu.memory_space<hbm>>
      tpu.enqueue_indirect_dma source(%dma_start3A_575 : memref<10000x128xf32, #tpu.memory_space<hbm>>) target(%arg8 : memref<40x128xf32, #tpu.memory_space<vmem>>) offsets(%dma_start3A_572 : memref<40xi32, #tpu.memory_space<vmem>>) semaphore(%arg14 : memref<!tpu.dma_semaphore, #tpu.memory_space<semaphore_mem>>)
      %gt3A_576 = arith.constant 0 : i32
      %gt3A_577 = arith.cmpi sgt, %scan3A_562, %gt3A_576 : i32
      %convert_element_type3A_578 = arith.extui %gt3A_577 : i1 to i32
      %cond3A_579 = arith.constant 0 : i32
      %cond3A_580 = arith.cmpi ne, %convert_element_type3A_578, %cond3A_579 : i32
      scf.if %cond3A_580 {
        %sub3A = arith.constant 1 : i32
        %sub3A_737 = arith.subi %scan3A_562, %sub3A : i32
        %mul3A_738 = arith.constant 5 : i32
        %mul3A_739 = arith.muli %sub3A_737, %mul3A_738 : i32
        %add3A_740 = arith.constant 1 : i32
        %add3A_741 = arith.addi %mul3A_739, %add3A_740 : i32
        %mul3A_742 = arith.constant 40 : i32
        %mul3A_743 = arith.muli %add3A_741, %mul3A_742 : i32
        %dma_wait3A_744 = tpu.memref_slice %arg7[%mul3A_743] : memref<10000xi32, #tpu.memory_space<vmem>> -> memref<40xi32, #tpu.memory_space<vmem>>
        %dma_wait3A_745 = arith.constant 0 : i32
        %dma_wait3A_746 = arith.constant 0 : i32
        %dma_wait3A_747 = tpu.memref_slice %arg13[%dma_wait3A_745, %dma_wait3A_746] : memref<10240x128xf32, #tpu.memory_space<vmem_shared>> -> memref<10240x128xf32, #tpu.memory_space<vmem_shared>>
        tpu.wait_indirect_dma semaphore(%arg20 : memref<!tpu.dma_semaphore, #tpu.memory_space<semaphore_mem>>) src(%arg9 : memref<40x128xf32, #tpu.memory_space<vmem>>) dst(%dma_wait3A_747 : memref<10240x128xf32, #tpu.memory_space<vmem_shared>>)
      } else {
      }
      %mul3A_581 = arith.constant 5 : i32
      %mul3A_582 = arith.muli %scan3A_562, %mul3A_581 : i32
      %add3A_583 = arith.constant 1 : i32
      %add3A_584 = arith.addi %mul3A_582, %add3A_583 : i32
      %mul3A_585 = arith.constant 40 : i32
      %mul3A_586 = arith.muli %add3A_584, %mul3A_585 : i32
      %dma_start3A_587 = tpu.memref_slice %arg6[%mul3A_586] : memref<10000xi32, #tpu.memory_space<vmem>> -> memref<40xi32, #tpu.memory_space<vmem>>
      %dma_start3A_588 = arith.constant 0 : i32
      %dma_start3A_589 = arith.constant 0 : i32
      %dma_start3A_590 = tpu.memref_slice %arg2[%dma_start3A_588, %dma_start3A_589] : memref<10000x128xf32, #tpu.memory_space<hbm>> -> memref<10000x128xf32, #tpu.memory_space<hbm>>
      tpu.enqueue_indirect_dma source(%dma_start3A_590 : memref<10000x128xf32, #tpu.memory_space<hbm>>) target(%arg9 : memref<40x128xf32, #tpu.memory_space<vmem>>) offsets(%dma_start3A_587 : memref<40xi32, #tpu.memory_space<vmem>>) semaphore(%arg15 : memref<!tpu.dma_semaphore, #tpu.memory_space<semaphore_mem>>)
      %gt3A_591 = arith.constant 0 : i32
      %gt3A_592 = arith.cmpi sgt, %scan3A_562, %gt3A_591 : i32
      %convert_element_type3A_593 = arith.extui %gt3A_592 : i1 to i32
      %cond3A_594 = arith.constant 0 : i32
      %cond3A_595 = arith.cmpi ne, %convert_element_type3A_593, %cond3A_594 : i32
      scf.if %cond3A_595 {
        %sub3A = arith.constant 1 : i32
        %sub3A_737 = arith.subi %scan3A_562, %sub3A : i32
        %mul3A_738 = arith.constant 5 : i32
        %mul3A_739 = arith.muli %sub3A_737, %mul3A_738 : i32
        %add3A_740 = arith.constant 2 : i32
        %add3A_741 = arith.addi %mul3A_739, %add3A_740 : i32
        %mul3A_742 = arith.constant 40 : i32
        %mul3A_743 = arith.muli %add3A_741, %mul3A_742 : i32
        %dma_wait3A_744 = tpu.memref_slice %arg7[%mul3A_743] : memref<10000xi32, #tpu.memory_space<vmem>> -> memref<40xi32, #tpu.memory_space<vmem>>
        %dma_wait3A_745 = arith.constant 0 : i32
        %dma_wait3A_746 = arith.constant 0 : i32
        %dma_wait3A_747 = tpu.memref_slice %arg13[%dma_wait3A_745, %dma_wait3A_746] : memref<10240x128xf32, #tpu.memory_space<vmem_shared>> -> memref<10240x128xf32, #tpu.memory_space<vmem_shared>>
        tpu.wait_indirect_dma semaphore(%arg21 : memref<!tpu.dma_semaphore, #tpu.memory_space<semaphore_mem>>) src(%arg10 : memref<40x128xf32, #tpu.memory_space<vmem>>) dst(%dma_wait3A_747 : memref<10240x128xf32, #tpu.memory_space<vmem_shared>>)
      } else {
      }
      %mul3A_596 = arith.constant 5 : i32
      %mul3A_597 = arith.muli %scan3A_562, %mul3A_596 : i32
      %add3A_598 = arith.constant 2 : i32
      %add3A_599 = arith.addi %mul3A_597, %add3A_598 : i32
      %mul3A_600 = arith.constant 40 : i32
      %mul3A_601 = arith.muli %add3A_599, %mul3A_600 : i32
      %dma_start3A_602 = tpu.memref_slice %arg6[%mul3A_601] : memref<10000xi32, #tpu.memory_space<vmem>> -> memref<40xi32, #tpu.memory_space<vmem>>
      %dma_start3A_603 = arith.constant 0 : i32
      %dma_start3A_604 = arith.constant 0 : i32
      %dma_start3A_605 = tpu.memref_slice %arg2[%dma_start3A_603, %dma_start3A_604] : memref<10000x128xf32, #tpu.memory_space<hbm>> -> memref<10000x128xf32, #tpu.memory_space<hbm>>
      tpu.enqueue_indirect_dma source(%dma_start3A_605 : memref<10000x128xf32, #tpu.memory_space<hbm>>) target(%arg10 : memref<40x128xf32, #tpu.memory_space<vmem>>) offsets(%dma_start3A_602 : memref<40xi32, #tpu.memory_space<vmem>>) semaphore(%arg16 : memref<!tpu.dma_semaphore, #tpu.memory_space<semaphore_mem>>)
      %gt3A_606 = arith.constant 0 : i32
      %gt3A_607 = arith.cmpi sgt, %scan3A_562, %gt3A_606 : i32
      %convert_element_type3A_608 = arith.extui %gt3A_607 : i1 to i32
      %cond3A_609 = arith.constant 0 : i32
      %cond3A_610 = arith.cmpi ne, %convert_element_type3A_608, %cond3A_609 : i32
      scf.if %cond3A_610 {
        %sub3A = arith.constant 1 : i32
        %sub3A_737 = arith.subi %scan3A_562, %sub3A : i32
        %mul3A_738 = arith.constant 5 : i32
        %mul3A_739 = arith.muli %sub3A_737, %mul3A_738 : i32
        %add3A_740 = arith.constant 3 : i32
        %add3A_741 = arith.addi %mul3A_739, %add3A_740 : i32
        %mul3A_742 = arith.constant 40 : i32
        %mul3A_743 = arith.muli %add3A_741, %mul3A_742 : i32
        %dma_wait3A_744 = tpu.memref_slice %arg7[%mul3A_743] : memref<10000xi32, #tpu.memory_space<vmem>> -> memref<40xi32, #tpu.memory_space<vmem>>
        %dma_wait3A_745 = arith.constant 0 : i32
        %dma_wait3A_746 = arith.constant 0 : i32
        %dma_wait3A_747 = tpu.memref_slice %arg13[%dma_wait3A_745, %dma_wait3A_746] : memref<10240x128xf32, #tpu.memory_space<vmem_shared>> -> memref<10240x128xf32, #tpu.memory_space<vmem_shared>>
        tpu.wait_indirect_dma semaphore(%arg22 : memref<!tpu.dma_semaphore, #tpu.memory_space<semaphore_mem>>) src(%arg11 : memref<40x128xf32, #tpu.memory_space<vmem>>) dst(%dma_wait3A_747 : memref<10240x128xf32, #tpu.memory_space<vmem_shared>>)
      } else {
      }
      %mul3A_611 = arith.constant 5 : i32
      %mul3A_612 = arith.muli %scan3A_562, %mul3A_611 : i32
      %add3A_613 = arith.constant 3 : i32
      %add3A_614 = arith.addi %mul3A_612, %add3A_613 : i32
      %mul3A_615 = arith.constant 40 : i32
      %mul3A_616 = arith.muli %add3A_614, %mul3A_615 : i32
      %dma_start3A_617 = tpu.memref_slice %arg6[%mul3A_616] : memref<10000xi32, #tpu.memory_space<vmem>> -> memref<40xi32, #tpu.memory_space<vmem>>
      %dma_start3A_618 = arith.constant 0 : i32
      %dma_start3A_619 = arith.constant 0 : i32
      %dma_start3A_620 = tpu.memref_slice %arg2[%dma_start3A_618, %dma_start3A_619] : memref<10000x128xf32, #tpu.memory_space<hbm>> -> memref<10000x128xf32, #tpu.memory_space<hbm>>
      tpu.enqueue_indirect_dma source(%dma_start3A_620 : memref<10000x128xf32, #tpu.memory_space<hbm>>) target(%arg11 : memref<40x128xf32, #tpu.memory_space<vmem>>) offsets(%dma_start3A_617 : memref<40xi32, #tpu.memory_space<vmem>>) semaphore(%arg17 : memref<!tpu.dma_semaphore, #tpu.memory_space<semaphore_mem>>)
      %gt3A_621 = arith.constant 0 : i32
      %gt3A_622 = arith.cmpi sgt, %scan3A_562, %gt3A_621 : i32
      %convert_element_type3A_623 = arith.extui %gt3A_622 : i1 to i32
      %cond3A_624 = arith.constant 0 : i32
      %cond3A_625 = arith.cmpi ne, %convert_element_type3A_623, %cond3A_624 : i32
      scf.if %cond3A_625 {
        %sub3A = arith.constant 1 : i32
        %sub3A_737 = arith.subi %scan3A_562, %sub3A : i32
        %mul3A_738 = arith.constant 5 : i32
        %mul3A_739 = arith.muli %sub3A_737, %mul3A_738 : i32
        %add3A_740 = arith.constant 4 : i32
        %add3A_741 = arith.addi %mul3A_739, %add3A_740 : i32
        %mul3A_742 = arith.constant 40 : i32
        %mul3A_743 = arith.muli %add3A_741, %mul3A_742 : i32
        %dma_wait3A_744 = tpu.memref_slice %arg7[%mul3A_743] : memref<10000xi32, #tpu.memory_space<vmem>> -> memref<40xi32, #tpu.memory_space<vmem>>
        %dma_wait3A_745 = arith.constant 0 : i32
        %dma_wait3A_746 = arith.constant 0 : i32
        %dma_wait3A_747 = tpu.memref_slice %arg13[%dma_wait3A_745, %dma_wait3A_746] : memref<10240x128xf32, #tpu.memory_space<vmem_shared>> -> memref<10240x128xf32, #tpu.memory_space<vmem_shared>>
        tpu.wait_indirect_dma semaphore(%arg23 : memref<!tpu.dma_semaphore, #tpu.memory_space<semaphore_mem>>) src(%arg12 : memref<40x128xf32, #tpu.memory_space<vmem>>) dst(%dma_wait3A_747 : memref<10240x128xf32, #tpu.memory_space<vmem_shared>>)
      } else {
      }
      %mul3A_626 = arith.constant 5 : i32
      %mul3A_627 = arith.muli %scan3A_562, %mul3A_626 : i32
      %add3A_628 = arith.constant 4 : i32
      %add3A_629 = arith.addi %mul3A_627, %add3A_628 : i32
      %mul3A_630 = arith.constant 40 : i32
      %mul3A_631 = arith.muli %add3A_629, %mul3A_630 : i32
      %dma_start3A_632 = tpu.memref_slice %arg6[%mul3A_631] : memref<10000xi32, #tpu.memory_space<vmem>> -> memref<40xi32, #tpu.memory_space<vmem>>
      %dma_start3A_633 = arith.constant 0 : i32
      %dma_start3A_634 = arith.constant 0 : i32
      %dma_start3A_635 = tpu.memref_slice %arg2[%dma_start3A_633, %dma_start3A_634] : memref<10000x128xf32, #tpu.memory_space<hbm>> -> memref<10000x128xf32, #tpu.memory_space<hbm>>
      tpu.enqueue_indirect_dma source(%dma_start3A_635 : memref<10000x128xf32, #tpu.memory_space<hbm>>) target(%arg12 : memref<40x128xf32, #tpu.memory_space<vmem>>) offsets(%dma_start3A_632 : memref<40xi32, #tpu.memory_space<vmem>>) semaphore(%arg18 : memref<!tpu.dma_semaphore, #tpu.memory_space<semaphore_mem>>)
      %mul3A_636 = arith.constant 5 : i32
      %mul3A_637 = arith.muli %scan3A_562, %mul3A_636 : i32
      %add3A_638 = arith.constant 0 : i32
      %add3A_639 = arith.addi %mul3A_637, %add3A_638 : i32
      %mul3A_640 = arith.constant 40 : i32
      %mul3A_641 = arith.muli %add3A_639, %mul3A_640 : i32
      %dma_wait3A_642 = tpu.memref_slice %arg6[%mul3A_641] : memref<10000xi32, #tpu.memory_space<vmem>> -> memref<40xi32, #tpu.memory_space<vmem>>
      %dma_wait3A_643 = arith.constant 0 : i32
      %dma_wait3A_644 = arith.constant 0 : i32
      %dma_wait3A_645 = tpu.memref_slice %arg2[%dma_wait3A_643, %dma_wait3A_644] : memref<10000x128xf32, #tpu.memory_space<hbm>> -> memref<10000x128xf32, #tpu.memory_space<hbm>>
      tpu.wait_indirect_dma semaphore(%arg14 : memref<!tpu.dma_semaphore, #tpu.memory_space<semaphore_mem>>) src(%dma_wait3A_645 : memref<10000x128xf32, #tpu.memory_space<hbm>>) dst(%arg8 : memref<40x128xf32, #tpu.memory_space<vmem>>)
      %mul3A_646 = arith.constant 5 : i32
      %mul3A_647 = arith.muli %scan3A_562, %mul3A_646 : i32
      %add3A_648 = arith.constant 0 : i32
      %add3A_649 = arith.addi %mul3A_647, %add3A_648 : i32
      %mul3A_650 = arith.constant 40 : i32
      %mul3A_651 = arith.muli %add3A_649, %mul3A_650 : i32
      %dma_start3A_652 = tpu.memref_slice %arg7[%mul3A_651] : memref<10000xi32, #tpu.memory_space<vmem>> -> memref<40xi32, #tpu.memory_space<vmem>>
      %dma_start3A_653 = arith.constant 0 : i32
      %dma_start3A_654 = arith.constant 0 : i32
      %dma_start3A_655 = tpu.memref_slice %arg13[%dma_start3A_653, %dma_start3A_654] : memref<10240x128xf32, #tpu.memory_space<vmem_shared>> -> memref<10240x128xf32, #tpu.memory_space<vmem_shared>>
      tpu.enqueue_indirect_dma source(%arg8 : memref<40x128xf32, #tpu.memory_space<vmem>>) target(%dma_start3A_655 : memref<10240x128xf32, #tpu.memory_space<vmem_shared>>) offsets(%dma_start3A_652 : memref<40xi32, #tpu.memory_space<vmem>>) semaphore(%arg19 : memref<!tpu.dma_semaphore, #tpu.memory_space<semaphore_mem>>) {add = true}
      %mul3A_656 = arith.constant 5 : i32
      %mul3A_657 = arith.muli %scan3A_562, %mul3A_656 : i32
      %add3A_658 = arith.constant 1 : i32
      %add3A_659 = arith.addi %mul3A_657, %add3A_658 : i32
      %mul3A_660 = arith.constant 40 : i32
      %mul3A_661 = arith.muli %add3A_659, %mul3A_660 : i32
      %dma_wait3A_662 = tpu.memref_slice %arg6[%mul3A_661] : memref<10000xi32, #tpu.memory_space<vmem>> -> memref<40xi32, #tpu.memory_space<vmem>>
      %dma_wait3A_663 = arith.constant 0 : i32
      %dma_wait3A_664 = arith.constant 0 : i32
      %dma_wait3A_665 = tpu.memref_slice %arg2[%dma_wait3A_663, %dma_wait3A_664] : memref<10000x128xf32, #tpu.memory_space<hbm>> -> memref<10000x128xf32, #tpu.memory_space<hbm>>
      tpu.wait_indirect_dma semaphore(%arg15 : memref<!tpu.dma_semaphore, #tpu.memory_space<semaphore_mem>>) src(%dma_wait3A_665 : memref<10000x128xf32, #tpu.memory_space<hbm>>) dst(%arg9 : memref<40x128xf32, #tpu.memory_space<vmem>>)
      %mul3A_666 = arith.constant 5 : i32
      %mul3A_667 = arith.muli %scan3A_562, %mul3A_666 : i32
      %add3A_668 = arith.constant 1 : i32
      %add3A_669 = arith.addi %mul3A_667, %add3A_668 : i32
      %mul3A_670 = arith.constant 40 : i32
      %mul3A_671 = arith.muli %add3A_669, %mul3A_670 : i32
      %dma_start3A_672 = tpu.memref_slice %arg7[%mul3A_671] : memref<10000xi32, #tpu.memory_space<vmem>> -> memref<40xi32, #tpu.memory_space<vmem>>
      %dma_start3A_673 = arith.constant 0 : i32
      %dma_start3A_674 = arith.constant 0 : i32
      %dma_start3A_675 = tpu.memref_slice %arg13[%dma_start3A_673, %dma_start3A_674] : memref<10240x128xf32, #tpu.memory_space<vmem_shared>> -> memref<10240x128xf32, #tpu.memory_space<vmem_shared>>
      tpu.enqueue_indirect_dma source(%arg9 : memref<40x128xf32, #tpu.memory_space<vmem>>) target(%dma_start3A_675 : memref<10240x128xf32, #tpu.memory_space<vmem_shared>>) offsets(%dma_start3A_672 : memref<40xi32, #tpu.memory_space<vmem>>) semaphore(%arg20 : memref<!tpu.dma_semaphore, #tpu.memory_space<semaphore_mem>>) {add = true}
      %mul3A_676 = arith.constant 5 : i32
      %mul3A_677 = arith.muli %scan3A_562, %mul3A_676 : i32
      %add3A_678 = arith.constant 2 : i32
      %add3A_679 = arith.addi %mul3A_677, %add3A_678 : i32
      %mul3A_680 = arith.constant 40 : i32
      %mul3A_681 = arith.muli %add3A_679, %mul3A_680 : i32
      %dma_wait3A_682 = tpu.memref_slice %arg6[%mul3A_681] : memref<10000xi32, #tpu.memory_space<vmem>> -> memref<40xi32, #tpu.memory_space<vmem>>
      %dma_wait3A_683 = arith.constant 0 : i32
      %dma_wait3A_684 = arith.constant 0 : i32
      %dma_wait3A_685 = tpu.memref_slice %arg2[%dma_wait3A_683, %dma_wait3A_684] : memref<10000x128xf32, #tpu.memory_space<hbm>> -> memref<10000x128xf32, #tpu.memory_space<hbm>>
      tpu.wait_indirect_dma semaphore(%arg16 : memref<!tpu.dma_semaphore, #tpu.memory_space<semaphore_mem>>) src(%dma_wait3A_685 : memref<10000x128xf32, #tpu.memory_space<hbm>>) dst(%arg10 : memref<40x128xf32, #tpu.memory_space<vmem>>)
      %mul3A_686 = arith.constant 5 : i32
      %mul3A_687 = arith.muli %scan3A_562, %mul3A_686 : i32
      %add3A_688 = arith.constant 2 : i32
      %add3A_689 = arith.addi %mul3A_687, %add3A_688 : i32
      %mul3A_690 = arith.constant 40 : i32
      %mul3A_691 = arith.muli %add3A_689, %mul3A_690 : i32
      %dma_start3A_692 = tpu.memref_slice %arg7[%mul3A_691] : memref<10000xi32, #tpu.memory_space<vmem>> -> memref<40xi32, #tpu.memory_space<vmem>>
      %dma_start3A_693 = arith.constant 0 : i32
      %dma_start3A_694 = arith.constant 0 : i32
      %dma_start3A_695 = tpu.memref_slice %arg13[%dma_start3A_693, %dma_start3A_694] : memref<10240x128xf32, #tpu.memory_space<vmem_shared>> -> memref<10240x128xf32, #tpu.memory_space<vmem_shared>>
      tpu.enqueue_indirect_dma source(%arg10 : memref<40x128xf32, #tpu.memory_space<vmem>>) target(%dma_start3A_695 : memref<10240x128xf32, #tpu.memory_space<vmem_shared>>) offsets(%dma_start3A_692 : memref<40xi32, #tpu.memory_space<vmem>>) semaphore(%arg21 : memref<!tpu.dma_semaphore, #tpu.memory_space<semaphore_mem>>) {add = true}
      %mul3A_696 = arith.constant 5 : i32
      %mul3A_697 = arith.muli %scan3A_562, %mul3A_696 : i32
      %add3A_698 = arith.constant 3 : i32
      %add3A_699 = arith.addi %mul3A_697, %add3A_698 : i32
      %mul3A_700 = arith.constant 40 : i32
      %mul3A_701 = arith.muli %add3A_699, %mul3A_700 : i32
      %dma_wait3A_702 = tpu.memref_slice %arg6[%mul3A_701] : memref<10000xi32, #tpu.memory_space<vmem>> -> memref<40xi32, #tpu.memory_space<vmem>>
      %dma_wait3A_703 = arith.constant 0 : i32
      %dma_wait3A_704 = arith.constant 0 : i32
      %dma_wait3A_705 = tpu.memref_slice %arg2[%dma_wait3A_703, %dma_wait3A_704] : memref<10000x128xf32, #tpu.memory_space<hbm>> -> memref<10000x128xf32, #tpu.memory_space<hbm>>
      tpu.wait_indirect_dma semaphore(%arg17 : memref<!tpu.dma_semaphore, #tpu.memory_space<semaphore_mem>>) src(%dma_wait3A_705 : memref<10000x128xf32, #tpu.memory_space<hbm>>) dst(%arg11 : memref<40x128xf32, #tpu.memory_space<vmem>>)
      %mul3A_706 = arith.constant 5 : i32
      %mul3A_707 = arith.muli %scan3A_562, %mul3A_706 : i32
      %add3A_708 = arith.constant 3 : i32
      %add3A_709 = arith.addi %mul3A_707, %add3A_708 : i32
      %mul3A_710 = arith.constant 40 : i32
      %mul3A_711 = arith.muli %add3A_709, %mul3A_710 : i32
      %dma_start3A_712 = tpu.memref_slice %arg7[%mul3A_711] : memref<10000xi32, #tpu.memory_space<vmem>> -> memref<40xi32, #tpu.memory_space<vmem>>
      %dma_start3A_713 = arith.constant 0 : i32
      %dma_start3A_714 = arith.constant 0 : i32
      %dma_start3A_715 = tpu.memref_slice %arg13[%dma_start3A_713, %dma_start3A_714] : memref<10240x128xf32, #tpu.memory_space<vmem_shared>> -> memref<10240x128xf32, #tpu.memory_space<vmem_shared>>
      tpu.enqueue_indirect_dma source(%arg11 : memref<40x128xf32, #tpu.memory_space<vmem>>) target(%dma_start3A_715 : memref<10240x128xf32, #tpu.memory_space<vmem_shared>>) offsets(%dma_start3A_712 : memref<40xi32, #tpu.memory_space<vmem>>) semaphore(%arg22 : memref<!tpu.dma_semaphore, #tpu.memory_space<semaphore_mem>>) {add = true}
      %mul3A_716 = arith.constant 5 : i32
      %mul3A_717 = arith.muli %scan3A_562, %mul3A_716 : i32
      %add3A_718 = arith.constant 4 : i32
      %add3A_719 = arith.addi %mul3A_717, %add3A_718 : i32
      %mul3A_720 = arith.constant 40 : i32
      %mul3A_721 = arith.muli %add3A_719, %mul3A_720 : i32
      %dma_wait3A_722 = tpu.memref_slice %arg6[%mul3A_721] : memref<10000xi32, #tpu.memory_space<vmem>> -> memref<40xi32, #tpu.memory_space<vmem>>
      %dma_wait3A_723 = arith.constant 0 : i32
      %dma_wait3A_724 = arith.constant 0 : i32
      %dma_wait3A_725 = tpu.memref_slice %arg2[%dma_wait3A_723, %dma_wait3A_724] : memref<10000x128xf32, #tpu.memory_space<hbm>> -> memref<10000x128xf32, #tpu.memory_space<hbm>>
      tpu.wait_indirect_dma semaphore(%arg18 : memref<!tpu.dma_semaphore, #tpu.memory_space<semaphore_mem>>) src(%dma_wait3A_725 : memref<10000x128xf32, #tpu.memory_space<hbm>>) dst(%arg12 : memref<40x128xf32, #tpu.memory_space<vmem>>)
      %mul3A_726 = arith.constant 5 : i32
      %mul3A_727 = arith.muli %scan3A_562, %mul3A_726 : i32
      %add3A_728 = arith.constant 4 : i32
      %add3A_729 = arith.addi %mul3A_727, %add3A_728 : i32
      %mul3A_730 = arith.constant 40 : i32
      %mul3A_731 = arith.muli %add3A_729, %mul3A_730 : i32
      %dma_start3A_732 = tpu.memref_slice %arg7[%mul3A_731] : memref<10000xi32, #tpu.memory_space<vmem>> -> memref<40xi32, #tpu.memory_space<vmem>>
      %dma_start3A_733 = arith.constant 0 : i32
      %dma_start3A_734 = arith.constant 0 : i32
      %dma_start3A_735 = tpu.memref_slice %arg13[%dma_start3A_733, %dma_start3A_734] : memref<10240x128xf32, #tpu.memory_space<vmem_shared>> -> memref<10240x128xf32, #tpu.memory_space<vmem_shared>>
      tpu.enqueue_indirect_dma source(%arg12 : memref<40x128xf32, #tpu.memory_space<vmem>>) target(%dma_start3A_735 : memref<10240x128xf32, #tpu.memory_space<vmem_shared>>) offsets(%dma_start3A_732 : memref<40xi32, #tpu.memory_space<vmem>>) semaphore(%arg23 : memref<!tpu.dma_semaphore, #tpu.memory_space<semaphore_mem>>) {add = true}
      %scan3A_736 = arith.constant 0 : i32
      scf.yield %scan3A_736 : i32
    }
    %scan3A_215 = arith.constant 50 : i32
    %dma_wait3A_216 = arith.constant 9800 : i32
    %dma_wait3A_217 = tpu.memref_slice %arg7[%dma_wait3A_216] : memref<10000xi32, #tpu.memory_space<vmem>> -> memref<40xi32, #tpu.memory_space<vmem>>
    %dma_wait3A_218 = arith.constant 0 : i32
    %dma_wait3A_219 = arith.constant 0 : i32
    %dma_wait3A_220 = tpu.memref_slice %arg13[%dma_wait3A_218, %dma_wait3A_219] : memref<10240x128xf32, #tpu.memory_space<vmem_shared>> -> memref<10240x128xf32, #tpu.memory_space<vmem_shared>>
    tpu.wait_indirect_dma semaphore(%arg19 : memref<!tpu.dma_semaphore, #tpu.memory_space<semaphore_mem>>) src(%arg8 : memref<40x128xf32, #tpu.memory_space<vmem>>) dst(%dma_wait3A_220 : memref<10240x128xf32, #tpu.memory_space<vmem_shared>>)
    %dma_wait3A_221 = arith.constant 9840 : i32
    %dma_wait3A_222 = tpu.memref_slice %arg7[%dma_wait3A_221] : memref<10000xi32, #tpu.memory_space<vmem>> -> memref<40xi32, #tpu.memory_space<vmem>>
    %dma_wait3A_223 = arith.constant 0 : i32
    %dma_wait3A_224 = arith.constant 0 : i32
    %dma_wait3A_225 = tpu.memref_slice %arg13[%dma_wait3A_223, %dma_wait3A_224] : memref<10240x128xf32, #tpu.memory_space<vmem_shared>> -> memref<10240x128xf32, #tpu.memory_space<vmem_shared>>
    tpu.wait_indirect_dma semaphore(%arg20 : memref<!tpu.dma_semaphore, #tpu.memory_space<semaphore_mem>>) src(%arg9 : memref<40x128xf32, #tpu.memory_space<vmem>>) dst(%dma_wait3A_225 : memref<10240x128xf32, #tpu.memory_space<vmem_shared>>)
    %dma_wait3A_226 = arith.constant 9880 : i32
    %dma_wait3A_227 = tpu.memref_slice %arg7[%dma_wait3A_226] : memref<10000xi32, #tpu.memory_space<vmem>> -> memref<40xi32, #tpu.memory_space<vmem>>
    %dma_wait3A_228 = arith.constant 0 : i32
    %dma_wait3A_229 = arith.constant 0 : i32
    %dma_wait3A_230 = tpu.memref_slice %arg13[%dma_wait3A_228, %dma_wait3A_229] : memref<10240x128xf32, #tpu.memory_space<vmem_shared>> -> memref<10240x128xf32, #tpu.memory_space<vmem_shared>>
    tpu.wait_indirect_dma semaphore(%arg21 : memref<!tpu.dma_semaphore, #tpu.memory_space<semaphore_mem>>) src(%arg10 : memref<40x128xf32, #tpu.memory_space<vmem>>) dst(%dma_wait3A_230 : memref<10240x128xf32, #tpu.memory_space<vmem_shared>>)
    %dma_wait3A_231 = arith.constant 9920 : i32
    %dma_wait3A_232 = tpu.memref_slice %arg7[%dma_wait3A_231] : memref<10000xi32, #tpu.memory_space<vmem>> -> memref<40xi32, #tpu.memory_space<vmem>>
    %dma_wait3A_233 = arith.constant 0 : i32
    %dma_wait3A_234 = arith.constant 0 : i32
    %dma_wait3A_235 = tpu.memref_slice %arg13[%dma_wait3A_233, %dma_wait3A_234] : memref<10240x128xf32, #tpu.memory_space<vmem_shared>> -> memref<10240x128xf32, #tpu.memory_space<vmem_shared>>
    tpu.wait_indirect_dma semaphore(%arg22 : memref<!tpu.dma_semaphore, #tpu.memory_space<semaphore_mem>>) src(%arg11 : memref<40x128xf32, #tpu.memory_space<vmem>>) dst(%dma_wait3A_235 : memref<10240x128xf32, #tpu.memory_space<vmem_shared>>)
    %dma_wait3A_236 = arith.constant 9960 : i32
    %dma_wait3A_237 = tpu.memref_slice %arg7[%dma_wait3A_236] : memref<10000xi32, #tpu.memory_space<vmem>> -> memref<40xi32, #tpu.memory_space<vmem>>
    %dma_wait3A_238 = arith.constant 0 : i32
    %dma_wait3A_239 = arith.constant 0 : i32
    %dma_wait3A_240 = tpu.memref_slice %arg13[%dma_wait3A_238, %dma_wait3A_239] : memref<10240x128xf32, #tpu.memory_space<vmem_shared>> -> memref<10240x128xf32, #tpu.memory_space<vmem_shared>>
    tpu.wait_indirect_dma semaphore(%arg23 : memref<!tpu.dma_semaphore, #tpu.memory_space<semaphore_mem>>) src(%arg12 : memref<40x128xf32, #tpu.memory_space<vmem>>) dst(%dma_wait3A_240 : memref<10240x128xf32, #tpu.memory_space<vmem_shared>>)
    %barrier3A_241 = arith.constant 0 : index
    tpu.barrier barrier_id(%barrier3A_241)
    %add3A_242 = arith.constant 0 : i32
    %add3A_243 = arith.addi %mul3A_13, %add3A_242 : i32
    %dma_start3A_244 = arith.constant 0 : i32
    %dma_start3A_245 = arith.constant 0 : i32
    %dma_start3A_246 = tpu.memref_slice %arg5[%arg0, %dma_start3A_244, %dma_start3A_245] : memref<2x10240x128xf32, #tpu.memory_space<hbm>> -> memref<1x10240x128xf32, #tpu.memory_space<hbm>>
    %dma_start3A_247 = tpu.memref_squeeze %dma_start3A_246 : memref<1x10240x128xf32, #tpu.memory_space<hbm>> -> memref<10240x128xf32, #tpu.memory_space<hbm>>
    %dma_start3A_248 = arith.constant 0 : i32
    %dma_start3A_249 = tpu.memref_slice %dma_start3A_247[%add3A_243, %dma_start3A_248] : memref<10240x128xf32, #tpu.memory_space<hbm>> -> memref<40x128xf32, #tpu.memory_space<hbm>>
    %dma_start3A_250 = arith.constant 0 : i32
    %dma_start3A_251 = tpu.memref_slice %arg13[%add3A_243, %dma_start3A_250] : memref<10240x128xf32, #tpu.memory_space<vmem_shared>> -> memref<40x128xf32, #tpu.memory_space<vmem_shared>>
    tpu.enqueue_dma source(%dma_start3A_251 : memref<40x128xf32, #tpu.memory_space<vmem_shared>>) target(%dma_start3A_249 : memref<40x128xf32, #tpu.memory_space<hbm>>) target_semaphore(%arg19 : memref<!tpu.dma_semaphore, #tpu.memory_space<semaphore_mem>>)
    %add3A_252 = arith.constant 40 : i32
    %add3A_253 = arith.addi %mul3A_13, %add3A_252 : i32
    %dma_start3A_254 = arith.constant 0 : i32
    %dma_start3A_255 = arith.constant 0 : i32
    %dma_start3A_256 = tpu.memref_slice %arg5[%arg0, %dma_start3A_254, %dma_start3A_255] : memref<2x10240x128xf32, #tpu.memory_space<hbm>> -> memref<1x10240x128xf32, #tpu.memory_space<hbm>>
    %dma_start3A_257 = tpu.memref_squeeze %dma_start3A_256 : memref<1x10240x128xf32, #tpu.memory_space<hbm>> -> memref<10240x128xf32, #tpu.memory_space<hbm>>
    %dma_start3A_258 = arith.constant 0 : i32
    %dma_start3A_259 = tpu.memref_slice %dma_start3A_257[%add3A_253, %dma_start3A_258] : memref<10240x128xf32, #tpu.memory_space<hbm>> -> memref<40x128xf32, #tpu.memory_space<hbm>>
    %dma_start3A_260 = arith.constant 0 : i32
    %dma_start3A_261 = tpu.memref_slice %arg13[%add3A_253, %dma_start3A_260] : memref<10240x128xf32, #tpu.memory_space<vmem_shared>> -> memref<40x128xf32, #tpu.memory_space<vmem_shared>>
    tpu.enqueue_dma source(%dma_start3A_261 : memref<40x128xf32, #tpu.memory_space<vmem_shared>>) target(%dma_start3A_259 : memref<40x128xf32, #tpu.memory_space<hbm>>) target_semaphore(%arg20 : memref<!tpu.dma_semaphore, #tpu.memory_space<semaphore_mem>>)
    %add3A_262 = arith.constant 80 : i32
    %add3A_263 = arith.addi %mul3A_13, %add3A_262 : i32
    %dma_start3A_264 = arith.constant 0 : i32
    %dma_start3A_265 = arith.constant 0 : i32
    %dma_start3A_266 = tpu.memref_slice %arg5[%arg0, %dma_start3A_264, %dma_start3A_265] : memref<2x10240x128xf32, #tpu.memory_space<hbm>> -> memref<1x10240x128xf32, #tpu.memory_space<hbm>>
    %dma_start3A_267 = tpu.memref_squeeze %dma_start3A_266 : memref<1x10240x128xf32, #tpu.memory_space<hbm>> -> memref<10240x128xf32, #tpu.memory_space<hbm>>
    %dma_start3A_268 = arith.constant 0 : i32
    %dma_start3A_269 = tpu.memref_slice %dma_start3A_267[%add3A_263, %dma_start3A_268] : memref<10240x128xf32, #tpu.memory_space<hbm>> -> memref<40x128xf32, #tpu.memory_space<hbm>>
    %dma_start3A_270 = arith.constant 0 : i32
    %dma_start3A_271 = tpu.memref_slice %arg13[%add3A_263, %dma_start3A_270] : memref<10240x128xf32, #tpu.memory_space<vmem_shared>> -> memref<40x128xf32, #tpu.memory_space<vmem_shared>>
    tpu.enqueue_dma source(%dma_start3A_271 : memref<40x128xf32, #tpu.memory_space<vmem_shared>>) target(%dma_start3A_269 : memref<40x128xf32, #tpu.memory_space<hbm>>) target_semaphore(%arg21 : memref<!tpu.dma_semaphore, #tpu.memory_space<semaphore_mem>>)
    %add3A_272 = arith.constant 120 : i32
    %add3A_273 = arith.addi %mul3A_13, %add3A_272 : i32
    %dma_start3A_274 = arith.constant 0 : i32
    %dma_start3A_275 = arith.constant 0 : i32
    %dma_start3A_276 = tpu.memref_slice %arg5[%arg0, %dma_start3A_274, %dma_start3A_275] : memref<2x10240x128xf32, #tpu.memory_space<hbm>> -> memref<1x10240x128xf32, #tpu.memory_space<hbm>>
    %dma_start3A_277 = tpu.memref_squeeze %dma_start3A_276 : memref<1x10240x128xf32, #tpu.memory_space<hbm>> -> memref<10240x128xf32, #tpu.memory_space<hbm>>
    %dma_start3A_278 = arith.constant 0 : i32
    %dma_start3A_279 = tpu.memref_slice %dma_start3A_277[%add3A_273, %dma_start3A_278] : memref<10240x128xf32, #tpu.memory_space<hbm>> -> memref<40x128xf32, #tpu.memory_space<hbm>>
    %dma_start3A_280 = arith.constant 0 : i32
    %dma_start3A_281 = tpu.memref_slice %arg13[%add3A_273, %dma_start3A_280] : memref<10240x128xf32, #tpu.memory_space<vmem_shared>> -> memref<40x128xf32, #tpu.memory_space<vmem_shared>>
    tpu.enqueue_dma source(%dma_start3A_281 : memref<40x128xf32, #tpu.memory_space<vmem_shared>>) target(%dma_start3A_279 : memref<40x128xf32, #tpu.memory_space<hbm>>) target_semaphore(%arg22 : memref<!tpu.dma_semaphore, #tpu.memory_space<semaphore_mem>>)
    %add3A_282 = arith.constant 160 : i32
    %add3A_283 = arith.addi %mul3A_13, %add3A_282 : i32
    %dma_start3A_284 = arith.constant 0 : i32
    %dma_start3A_285 = arith.constant 0 : i32
    %dma_start3A_286 = tpu.memref_slice %arg5[%arg0, %dma_start3A_284, %dma_start3A_285] : memref<2x10240x128xf32, #tpu.memory_space<hbm>> -> memref<1x10240x128xf32, #tpu.memory_space<hbm>>
    %dma_start3A_287 = tpu.memref_squeeze %dma_start3A_286 : memref<1x10240x128xf32, #tpu.memory_space<hbm>> -> memref<10240x128xf32, #tpu.memory_space<hbm>>
    %dma_start3A_288 = arith.constant 0 : i32
    %dma_start3A_289 = tpu.memref_slice %dma_start3A_287[%add3A_283, %dma_start3A_288] : memref<10240x128xf32, #tpu.memory_space<hbm>> -> memref<40x128xf32, #tpu.memory_space<hbm>>
    %dma_start3A_290 = arith.constant 0 : i32
    %dma_start3A_291 = tpu.memref_slice %arg13[%add3A_283, %dma_start3A_290] : memref<10240x128xf32, #tpu.memory_space<vmem_shared>> -> memref<40x128xf32, #tpu.memory_space<vmem_shared>>
    tpu.enqueue_dma source(%dma_start3A_291 : memref<40x128xf32, #tpu.memory_space<vmem_shared>>) target(%dma_start3A_289 : memref<40x128xf32, #tpu.memory_space<hbm>>) target_semaphore(%arg23 : memref<!tpu.dma_semaphore, #tpu.memory_space<semaphore_mem>>)
    %add3A_292 = arith.constant 200 : i32
    %add3A_293 = arith.addi %mul3A_13, %add3A_292 : i32
    %dma_start3A_294 = arith.constant 0 : i32
    %dma_start3A_295 = arith.constant 0 : i32
    %dma_start3A_296 = tpu.memref_slice %arg5[%arg0, %dma_start3A_294, %dma_start3A_295] : memref<2x10240x128xf32, #tpu.memory_space<hbm>> -> memref<1x10240x128xf32, #tpu.memory_space<hbm>>
    %dma_start3A_297 = tpu.memref_squeeze %dma_start3A_296 : memref<1x10240x128xf32, #tpu.memory_space<hbm>> -> memref<10240x128xf32, #tpu.memory_space<hbm>>
    %dma_start3A_298 = arith.constant 0 : i32
    %dma_start3A_299 = tpu.memref_slice %dma_start3A_297[%add3A_293, %dma_start3A_298] : memref<10240x128xf32, #tpu.memory_space<hbm>> -> memref<40x128xf32, #tpu.memory_space<hbm>>
    %dma_start3A_300 = arith.constant 0 : i32
    %dma_start3A_301 = tpu.memref_slice %arg13[%add3A_293, %dma_start3A_300] : memref<10240x128xf32, #tpu.memory_space<vmem_shared>> -> memref<40x128xf32, #tpu.memory_space<vmem_shared>>
    tpu.enqueue_dma source(%dma_start3A_301 : memref<40x128xf32, #tpu.memory_space<vmem_shared>>) target(%dma_start3A_299 : memref<40x128xf32, #tpu.memory_space<hbm>>) target_semaphore(%arg19 : memref<!tpu.dma_semaphore, #tpu.memory_space<semaphore_mem>>)
    %add3A_302 = arith.constant 240 : i32
    %add3A_303 = arith.addi %mul3A_13, %add3A_302 : i32
    %dma_start3A_304 = arith.constant 0 : i32
    %dma_start3A_305 = arith.constant 0 : i32
    %dma_start3A_306 = tpu.memref_slice %arg5[%arg0, %dma_start3A_304, %dma_start3A_305] : memref<2x10240x128xf32, #tpu.memory_space<hbm>> -> memref<1x10240x128xf32, #tpu.memory_space<hbm>>
    %dma_start3A_307 = tpu.memref_squeeze %dma_start3A_306 : memref<1x10240x128xf32, #tpu.memory_space<hbm>> -> memref<10240x128xf32, #tpu.memory_space<hbm>>
    %dma_start3A_308 = arith.constant 0 : i32
    %dma_start3A_309 = tpu.memref_slice %dma_start3A_307[%add3A_303, %dma_start3A_308] : memref<10240x128xf32, #tpu.memory_space<hbm>> -> memref<40x128xf32, #tpu.memory_space<hbm>>
    %dma_start3A_310 = arith.constant 0 : i32
    %dma_start3A_311 = tpu.memref_slice %arg13[%add3A_303, %dma_start3A_310] : memref<10240x128xf32, #tpu.memory_space<vmem_shared>> -> memref<40x128xf32, #tpu.memory_space<vmem_shared>>
    tpu.enqueue_dma source(%dma_start3A_311 : memref<40x128xf32, #tpu.memory_space<vmem_shared>>) target(%dma_start3A_309 : memref<40x128xf32, #tpu.memory_space<hbm>>) target_semaphore(%arg20 : memref<!tpu.dma_semaphore, #tpu.memory_space<semaphore_mem>>)
    %add3A_312 = arith.constant 280 : i32
    %add3A_313 = arith.addi %mul3A_13, %add3A_312 : i32
    %dma_start3A_314 = arith.constant 0 : i32
    %dma_start3A_315 = arith.constant 0 : i32
    %dma_start3A_316 = tpu.memref_slice %arg5[%arg0, %dma_start3A_314, %dma_start3A_315] : memref<2x10240x128xf32, #tpu.memory_space<hbm>> -> memref<1x10240x128xf32, #tpu.memory_space<hbm>>
    %dma_start3A_317 = tpu.memref_squeeze %dma_start3A_316 : memref<1x10240x128xf32, #tpu.memory_space<hbm>> -> memref<10240x128xf32, #tpu.memory_space<hbm>>
    %dma_start3A_318 = arith.constant 0 : i32
    %dma_start3A_319 = tpu.memref_slice %dma_start3A_317[%add3A_313, %dma_start3A_318] : memref<10240x128xf32, #tpu.memory_space<hbm>> -> memref<40x128xf32, #tpu.memory_space<hbm>>
    %dma_start3A_320 = arith.constant 0 : i32
    %dma_start3A_321 = tpu.memref_slice %arg13[%add3A_313, %dma_start3A_320] : memref<10240x128xf32, #tpu.memory_space<vmem_shared>> -> memref<40x128xf32, #tpu.memory_space<vmem_shared>>
    tpu.enqueue_dma source(%dma_start3A_321 : memref<40x128xf32, #tpu.memory_space<vmem_shared>>) target(%dma_start3A_319 : memref<40x128xf32, #tpu.memory_space<hbm>>) target_semaphore(%arg21 : memref<!tpu.dma_semaphore, #tpu.memory_space<semaphore_mem>>)
    %add3A_322 = arith.constant 320 : i32
    %add3A_323 = arith.addi %mul3A_13, %add3A_322 : i32
    %dma_start3A_324 = arith.constant 0 : i32
    %dma_start3A_325 = arith.constant 0 : i32
    %dma_start3A_326 = tpu.memref_slice %arg5[%arg0, %dma_start3A_324, %dma_start3A_325] : memref<2x10240x128xf32, #tpu.memory_space<hbm>> -> memref<1x10240x128xf32, #tpu.memory_space<hbm>>
    %dma_start3A_327 = tpu.memref_squeeze %dma_start3A_326 : memref<1x10240x128xf32, #tpu.memory_space<hbm>> -> memref<10240x128xf32, #tpu.memory_space<hbm>>
    %dma_start3A_328 = arith.constant 0 : i32
    %dma_start3A_329 = tpu.memref_slice %dma_start3A_327[%add3A_323, %dma_start3A_328] : memref<10240x128xf32, #tpu.memory_space<hbm>> -> memref<40x128xf32, #tpu.memory_space<hbm>>
    %dma_start3A_330 = arith.constant 0 : i32
    %dma_start3A_331 = tpu.memref_slice %arg13[%add3A_323, %dma_start3A_330] : memref<10240x128xf32, #tpu.memory_space<vmem_shared>> -> memref<40x128xf32, #tpu.memory_space<vmem_shared>>
    tpu.enqueue_dma source(%dma_start3A_331 : memref<40x128xf32, #tpu.memory_space<vmem_shared>>) target(%dma_start3A_329 : memref<40x128xf32, #tpu.memory_space<hbm>>) target_semaphore(%arg22 : memref<!tpu.dma_semaphore, #tpu.memory_space<semaphore_mem>>)
    %add3A_332 = arith.constant 360 : i32
    %add3A_333 = arith.addi %mul3A_13, %add3A_332 : i32
    %dma_start3A_334 = arith.constant 0 : i32
    %dma_start3A_335 = arith.constant 0 : i32
    %dma_start3A_336 = tpu.memref_slice %arg5[%arg0, %dma_start3A_334, %dma_start3A_335] : memref<2x10240x128xf32, #tpu.memory_space<hbm>> -> memref<1x10240x128xf32, #tpu.memory_space<hbm>>
    %dma_start3A_337 = tpu.memref_squeeze %dma_start3A_336 : memref<1x10240x128xf32, #tpu.memory_space<hbm>> -> memref<10240x128xf32, #tpu.memory_space<hbm>>
    %dma_start3A_338 = arith.constant 0 : i32
    %dma_start3A_339 = tpu.memref_slice %dma_start3A_337[%add3A_333, %dma_start3A_338] : memref<10240x128xf32, #tpu.memory_space<hbm>> -> memref<40x128xf32, #tpu.memory_space<hbm>>
    %dma_start3A_340 = arith.constant 0 : i32
    %dma_start3A_341 = tpu.memref_slice %arg13[%add3A_333, %dma_start3A_340] : memref<10240x128xf32, #tpu.memory_space<vmem_shared>> -> memref<40x128xf32, #tpu.memory_space<vmem_shared>>
    tpu.enqueue_dma source(%dma_start3A_341 : memref<40x128xf32, #tpu.memory_space<vmem_shared>>) target(%dma_start3A_339 : memref<40x128xf32, #tpu.memory_space<hbm>>) target_semaphore(%arg23 : memref<!tpu.dma_semaphore, #tpu.memory_space<semaphore_mem>>)
    %add3A_342 = arith.constant 400 : i32
    %add3A_343 = arith.addi %mul3A_13, %add3A_342 : i32
    %dma_start3A_344 = arith.constant 0 : i32
    %dma_start3A_345 = arith.constant 0 : i32
    %dma_start3A_346 = tpu.memref_slice %arg5[%arg0, %dma_start3A_344, %dma_start3A_345] : memref<2x10240x128xf32, #tpu.memory_space<hbm>> -> memref<1x10240x128xf32, #tpu.memory_space<hbm>>
    %dma_start3A_347 = tpu.memref_squeeze %dma_start3A_346 : memref<1x10240x128xf32, #tpu.memory_space<hbm>> -> memref<10240x128xf32, #tpu.memory_space<hbm>>
    %dma_start3A_348 = arith.constant 0 : i32
    %dma_start3A_349 = tpu.memref_slice %dma_start3A_347[%add3A_343, %dma_start3A_348] : memref<10240x128xf32, #tpu.memory_space<hbm>> -> memref<40x128xf32, #tpu.memory_space<hbm>>
    %dma_start3A_350 = arith.constant 0 : i32
    %dma_start3A_351 = tpu.memref_slice %arg13[%add3A_343, %dma_start3A_350] : memref<10240x128xf32, #tpu.memory_space<vmem_shared>> -> memref<40x128xf32, #tpu.memory_space<vmem_shared>>
    tpu.enqueue_dma source(%dma_start3A_351 : memref<40x128xf32, #tpu.memory_space<vmem_shared>>) target(%dma_start3A_349 : memref<40x128xf32, #tpu.memory_space<hbm>>) target_semaphore(%arg19 : memref<!tpu.dma_semaphore, #tpu.memory_space<semaphore_mem>>)
    %add3A_352 = arith.constant 440 : i32
    %add3A_353 = arith.addi %mul3A_13, %add3A_352 : i32
    %dma_start3A_354 = arith.constant 0 : i32
    %dma_start3A_355 = arith.constant 0 : i32
    %dma_start3A_356 = tpu.memref_slice %arg5[%arg0, %dma_start3A_354, %dma_start3A_355] : memref<2x10240x128xf32, #tpu.memory_space<hbm>> -> memref<1x10240x128xf32, #tpu.memory_space<hbm>>
    %dma_start3A_357 = tpu.memref_squeeze %dma_start3A_356 : memref<1x10240x128xf32, #tpu.memory_space<hbm>> -> memref<10240x128xf32, #tpu.memory_space<hbm>>
    %dma_start3A_358 = arith.constant 0 : i32
    %dma_start3A_359 = tpu.memref_slice %dma_start3A_357[%add3A_353, %dma_start3A_358] : memref<10240x128xf32, #tpu.memory_space<hbm>> -> memref<40x128xf32, #tpu.memory_space<hbm>>
    %dma_start3A_360 = arith.constant 0 : i32
    %dma_start3A_361 = tpu.memref_slice %arg13[%add3A_353, %dma_start3A_360] : memref<10240x128xf32, #tpu.memory_space<vmem_shared>> -> memref<40x128xf32, #tpu.memory_space<vmem_shared>>
    tpu.enqueue_dma source(%dma_start3A_361 : memref<40x128xf32, #tpu.memory_space<vmem_shared>>) target(%dma_start3A_359 : memref<40x128xf32, #tpu.memory_space<hbm>>) target_semaphore(%arg20 : memref<!tpu.dma_semaphore, #tpu.memory_space<semaphore_mem>>)
    %add3A_362 = arith.constant 480 : i32
    %add3A_363 = arith.addi %mul3A_13, %add3A_362 : i32
    %dma_start3A_364 = arith.constant 0 : i32
    %dma_start3A_365 = arith.constant 0 : i32
    %dma_start3A_366 = tpu.memref_slice %arg5[%arg0, %dma_start3A_364, %dma_start3A_365] : memref<2x10240x128xf32, #tpu.memory_space<hbm>> -> memref<1x10240x128xf32, #tpu.memory_space<hbm>>
    %dma_start3A_367 = tpu.memref_squeeze %dma_start3A_366 : memref<1x10240x128xf32, #tpu.memory_space<hbm>> -> memref<10240x128xf32, #tpu.memory_space<hbm>>
    %dma_start3A_368 = arith.constant 0 : i32
    %dma_start3A_369 = tpu.memref_slice %dma_start3A_367[%add3A_363, %dma_start3A_368] : memref<10240x128xf32, #tpu.memory_space<hbm>> -> memref<40x128xf32, #tpu.memory_space<hbm>>
    %dma_start3A_370 = arith.constant 0 : i32
    %dma_start3A_371 = tpu.memref_slice %arg13[%add3A_363, %dma_start3A_370] : memref<10240x128xf32, #tpu.memory_space<vmem_shared>> -> memref<40x128xf32, #tpu.memory_space<vmem_shared>>
    tpu.enqueue_dma source(%dma_start3A_371 : memref<40x128xf32, #tpu.memory_space<vmem_shared>>) target(%dma_start3A_369 : memref<40x128xf32, #tpu.memory_space<hbm>>) target_semaphore(%arg21 : memref<!tpu.dma_semaphore, #tpu.memory_space<semaphore_mem>>)
    %add3A_372 = arith.constant 520 : i32
    %add3A_373 = arith.addi %mul3A_13, %add3A_372 : i32
    %dma_start3A_374 = arith.constant 0 : i32
    %dma_start3A_375 = arith.constant 0 : i32
    %dma_start3A_376 = tpu.memref_slice %arg5[%arg0, %dma_start3A_374, %dma_start3A_375] : memref<2x10240x128xf32, #tpu.memory_space<hbm>> -> memref<1x10240x128xf32, #tpu.memory_space<hbm>>
    %dma_start3A_377 = tpu.memref_squeeze %dma_start3A_376 : memref<1x10240x128xf32, #tpu.memory_space<hbm>> -> memref<10240x128xf32, #tpu.memory_space<hbm>>
    %dma_start3A_378 = arith.constant 0 : i32
    %dma_start3A_379 = tpu.memref_slice %dma_start3A_377[%add3A_373, %dma_start3A_378] : memref<10240x128xf32, #tpu.memory_space<hbm>> -> memref<40x128xf32, #tpu.memory_space<hbm>>
    %dma_start3A_380 = arith.constant 0 : i32
    %dma_start3A_381 = tpu.memref_slice %arg13[%add3A_373, %dma_start3A_380] : memref<10240x128xf32, #tpu.memory_space<vmem_shared>> -> memref<40x128xf32, #tpu.memory_space<vmem_shared>>
    tpu.enqueue_dma source(%dma_start3A_381 : memref<40x128xf32, #tpu.memory_space<vmem_shared>>) target(%dma_start3A_379 : memref<40x128xf32, #tpu.memory_space<hbm>>) target_semaphore(%arg22 : memref<!tpu.dma_semaphore, #tpu.memory_space<semaphore_mem>>)
    %add3A_382 = arith.constant 560 : i32
    %add3A_383 = arith.addi %mul3A_13, %add3A_382 : i32
    %dma_start3A_384 = arith.constant 0 : i32
    %dma_start3A_385 = arith.constant 0 : i32
    %dma_start3A_386 = tpu.memref_slice %arg5[%arg0, %dma_start3A_384, %dma_start3A_385] : memref<2x10240x128xf32, #tpu.memory_space<hbm>> -> memref<1x10240x128xf32, #tpu.memory_space<hbm>>
    %dma_start3A_387 = tpu.memref_squeeze %dma_start3A_386 : memref<1x10240x128xf32, #tpu.memory_space<hbm>> -> memref<10240x128xf32, #tpu.memory_space<hbm>>
    %dma_start3A_388 = arith.constant 0 : i32
    %dma_start3A_389 = tpu.memref_slice %dma_start3A_387[%add3A_383, %dma_start3A_388] : memref<10240x128xf32, #tpu.memory_space<hbm>> -> memref<40x128xf32, #tpu.memory_space<hbm>>
    %dma_start3A_390 = arith.constant 0 : i32
    %dma_start3A_391 = tpu.memref_slice %arg13[%add3A_383, %dma_start3A_390] : memref<10240x128xf32, #tpu.memory_space<vmem_shared>> -> memref<40x128xf32, #tpu.memory_space<vmem_shared>>
    tpu.enqueue_dma source(%dma_start3A_391 : memref<40x128xf32, #tpu.memory_space<vmem_shared>>) target(%dma_start3A_389 : memref<40x128xf32, #tpu.memory_space<hbm>>) target_semaphore(%arg23 : memref<!tpu.dma_semaphore, #tpu.memory_space<semaphore_mem>>)
    %add3A_392 = arith.constant 600 : i32
    %add3A_393 = arith.addi %mul3A_13, %add3A_392 : i32
    %dma_start3A_394 = arith.constant 0 : i32
    %dma_start3A_395 = arith.constant 0 : i32
    %dma_start3A_396 = tpu.memref_slice %arg5[%arg0, %dma_start3A_394, %dma_start3A_395] : memref<2x10240x128xf32, #tpu.memory_space<hbm>> -> memref<1x10240x128xf32, #tpu.memory_space<hbm>>
    %dma_start3A_397 = tpu.memref_squeeze %dma_start3A_396 : memref<1x10240x128xf32, #tpu.memory_space<hbm>> -> memref<10240x128xf32, #tpu.memory_space<hbm>>
    %dma_start3A_398 = arith.constant 0 : i32
    %dma_start3A_399 = tpu.memref_slice %dma_start3A_397[%add3A_393, %dma_start3A_398] : memref<10240x128xf32, #tpu.memory_space<hbm>> -> memref<40x128xf32, #tpu.memory_space<hbm>>
    %dma_start3A_400 = arith.constant 0 : i32
    %dma_start3A_401 = tpu.memref_slice %arg13[%add3A_393, %dma_start3A_400] : memref<10240x128xf32, #tpu.memory_space<vmem_shared>> -> memref<40x128xf32, #tpu.memory_space<vmem_shared>>
    tpu.enqueue_dma source(%dma_start3A_401 : memref<40x128xf32, #tpu.memory_space<vmem_shared>>) target(%dma_start3A_399 : memref<40x128xf32, #tpu.memory_space<hbm>>) target_semaphore(%arg19 : memref<!tpu.dma_semaphore, #tpu.memory_space<semaphore_mem>>)
    %add3A_402 = arith.constant 0 : i32
    %add3A_403 = arith.addi %mul3A_13, %add3A_402 : i32
    %dma_wait3A_404 = arith.constant 0 : i32
    %dma_wait3A_405 = arith.constant 0 : i32
    %dma_wait3A_406 = tpu.memref_slice %arg5[%arg0, %dma_wait3A_404, %dma_wait3A_405] : memref<2x10240x128xf32, #tpu.memory_space<hbm>> -> memref<1x10240x128xf32, #tpu.memory_space<hbm>>
    %dma_wait3A_407 = tpu.memref_squeeze %dma_wait3A_406 : memref<1x10240x128xf32, #tpu.memory_space<hbm>> -> memref<10240x128xf32, #tpu.memory_space<hbm>>
    %dma_wait3A_408 = arith.constant 0 : i32
    %dma_wait3A_409 = tpu.memref_slice %dma_wait3A_407[%add3A_403, %dma_wait3A_408] : memref<10240x128xf32, #tpu.memory_space<hbm>> -> memref<40x128xf32, #tpu.memory_space<hbm>>
    %dma_wait3A_410 = arith.constant 0 : i32
    %dma_wait3A_411 = tpu.memref_slice %arg13[%add3A_403, %dma_wait3A_410] : memref<10240x128xf32, #tpu.memory_space<vmem_shared>> -> memref<40x128xf32, #tpu.memory_space<vmem_shared>>
    tpu.wait_dma2 semaphore(%arg19 : memref<!tpu.dma_semaphore, #tpu.memory_space<semaphore_mem>>) src(%dma_wait3A_411 : memref<40x128xf32, #tpu.memory_space<vmem_shared>>) dst(%dma_wait3A_409 : memref<40x128xf32, #tpu.memory_space<hbm>>)
    %add3A_412 = arith.constant 40 : i32
    %add3A_413 = arith.addi %mul3A_13, %add3A_412 : i32
    %dma_wait3A_414 = arith.constant 0 : i32
    %dma_wait3A_415 = arith.constant 0 : i32
    %dma_wait3A_416 = tpu.memref_slice %arg5[%arg0, %dma_wait3A_414, %dma_wait3A_415] : memref<2x10240x128xf32, #tpu.memory_space<hbm>> -> memref<1x10240x128xf32, #tpu.memory_space<hbm>>
    %dma_wait3A_417 = tpu.memref_squeeze %dma_wait3A_416 : memref<1x10240x128xf32, #tpu.memory_space<hbm>> -> memref<10240x128xf32, #tpu.memory_space<hbm>>
    %dma_wait3A_418 = arith.constant 0 : i32
    %dma_wait3A_419 = tpu.memref_slice %dma_wait3A_417[%add3A_413, %dma_wait3A_418] : memref<10240x128xf32, #tpu.memory_space<hbm>> -> memref<40x128xf32, #tpu.memory_space<hbm>>
    %dma_wait3A_420 = arith.constant 0 : i32
    %dma_wait3A_421 = tpu.memref_slice %arg13[%add3A_413, %dma_wait3A_420] : memref<10240x128xf32, #tpu.memory_space<vmem_shared>> -> memref<40x128xf32, #tpu.memory_space<vmem_shared>>
    tpu.wait_dma2 semaphore(%arg20 : memref<!tpu.dma_semaphore, #tpu.memory_space<semaphore_mem>>) src(%dma_wait3A_421 : memref<40x128xf32, #tpu.memory_space<vmem_shared>>) dst(%dma_wait3A_419 : memref<40x128xf32, #tpu.memory_space<hbm>>)
    %add3A_422 = arith.constant 80 : i32
    %add3A_423 = arith.addi %mul3A_13, %add3A_422 : i32
    %dma_wait3A_424 = arith.constant 0 : i32
    %dma_wait3A_425 = arith.constant 0 : i32
    %dma_wait3A_426 = tpu.memref_slice %arg5[%arg0, %dma_wait3A_424, %dma_wait3A_425] : memref<2x10240x128xf32, #tpu.memory_space<hbm>> -> memref<1x10240x128xf32, #tpu.memory_space<hbm>>
    %dma_wait3A_427 = tpu.memref_squeeze %dma_wait3A_426 : memref<1x10240x128xf32, #tpu.memory_space<hbm>> -> memref<10240x128xf32, #tpu.memory_space<hbm>>
    %dma_wait3A_428 = arith.constant 0 : i32
    %dma_wait3A_429 = tpu.memref_slice %dma_wait3A_427[%add3A_423, %dma_wait3A_428] : memref<10240x128xf32, #tpu.memory_space<hbm>> -> memref<40x128xf32, #tpu.memory_space<hbm>>
    %dma_wait3A_430 = arith.constant 0 : i32
    %dma_wait3A_431 = tpu.memref_slice %arg13[%add3A_423, %dma_wait3A_430] : memref<10240x128xf32, #tpu.memory_space<vmem_shared>> -> memref<40x128xf32, #tpu.memory_space<vmem_shared>>
    tpu.wait_dma2 semaphore(%arg21 : memref<!tpu.dma_semaphore, #tpu.memory_space<semaphore_mem>>) src(%dma_wait3A_431 : memref<40x128xf32, #tpu.memory_space<vmem_shared>>) dst(%dma_wait3A_429 : memref<40x128xf32, #tpu.memory_space<hbm>>)
    %add3A_432 = arith.constant 120 : i32
    %add3A_433 = arith.addi %mul3A_13, %add3A_432 : i32
    %dma_wait3A_434 = arith.constant 0 : i32
    %dma_wait3A_435 = arith.constant 0 : i32
    %dma_wait3A_436 = tpu.memref_slice %arg5[%arg0, %dma_wait3A_434, %dma_wait3A_435] : memref<2x10240x128xf32, #tpu.memory_space<hbm>> -> memref<1x10240x128xf32, #tpu.memory_space<hbm>>
    %dma_wait3A_437 = tpu.memref_squeeze %dma_wait3A_436 : memref<1x10240x128xf32, #tpu.memory_space<hbm>> -> memref<10240x128xf32, #tpu.memory_space<hbm>>
    %dma_wait3A_438 = arith.constant 0 : i32
    %dma_wait3A_439 = tpu.memref_slice %dma_wait3A_437[%add3A_433, %dma_wait3A_438] : memref<10240x128xf32, #tpu.memory_space<hbm>> -> memref<40x128xf32, #tpu.memory_space<hbm>>
    %dma_wait3A_440 = arith.constant 0 : i32
    %dma_wait3A_441 = tpu.memref_slice %arg13[%add3A_433, %dma_wait3A_440] : memref<10240x128xf32, #tpu.memory_space<vmem_shared>> -> memref<40x128xf32, #tpu.memory_space<vmem_shared>>
    tpu.wait_dma2 semaphore(%arg22 : memref<!tpu.dma_semaphore, #tpu.memory_space<semaphore_mem>>) src(%dma_wait3A_441 : memref<40x128xf32, #tpu.memory_space<vmem_shared>>) dst(%dma_wait3A_439 : memref<40x128xf32, #tpu.memory_space<hbm>>)
    %add3A_442 = arith.constant 160 : i32
    %add3A_443 = arith.addi %mul3A_13, %add3A_442 : i32
    %dma_wait3A_444 = arith.constant 0 : i32
    %dma_wait3A_445 = arith.constant 0 : i32
    %dma_wait3A_446 = tpu.memref_slice %arg5[%arg0, %dma_wait3A_444, %dma_wait3A_445] : memref<2x10240x128xf32, #tpu.memory_space<hbm>> -> memref<1x10240x128xf32, #tpu.memory_space<hbm>>
    %dma_wait3A_447 = tpu.memref_squeeze %dma_wait3A_446 : memref<1x10240x128xf32, #tpu.memory_space<hbm>> -> memref<10240x128xf32, #tpu.memory_space<hbm>>
    %dma_wait3A_448 = arith.constant 0 : i32
    %dma_wait3A_449 = tpu.memref_slice %dma_wait3A_447[%add3A_443, %dma_wait3A_448] : memref<10240x128xf32, #tpu.memory_space<hbm>> -> memref<40x128xf32, #tpu.memory_space<hbm>>
    %dma_wait3A_450 = arith.constant 0 : i32
    %dma_wait3A_451 = tpu.memref_slice %arg13[%add3A_443, %dma_wait3A_450] : memref<10240x128xf32, #tpu.memory_space<vmem_shared>> -> memref<40x128xf32, #tpu.memory_space<vmem_shared>>
    tpu.wait_dma2 semaphore(%arg23 : memref<!tpu.dma_semaphore, #tpu.memory_space<semaphore_mem>>) src(%dma_wait3A_451 : memref<40x128xf32, #tpu.memory_space<vmem_shared>>) dst(%dma_wait3A_449 : memref<40x128xf32, #tpu.memory_space<hbm>>)
    %add3A_452 = arith.constant 200 : i32
    %add3A_453 = arith.addi %mul3A_13, %add3A_452 : i32
    %dma_wait3A_454 = arith.constant 0 : i32
    %dma_wait3A_455 = arith.constant 0 : i32
    %dma_wait3A_456 = tpu.memref_slice %arg5[%arg0, %dma_wait3A_454, %dma_wait3A_455] : memref<2x10240x128xf32, #tpu.memory_space<hbm>> -> memref<1x10240x128xf32, #tpu.memory_space<hbm>>
    %dma_wait3A_457 = tpu.memref_squeeze %dma_wait3A_456 : memref<1x10240x128xf32, #tpu.memory_space<hbm>> -> memref<10240x128xf32, #tpu.memory_space<hbm>>
    %dma_wait3A_458 = arith.constant 0 : i32
    %dma_wait3A_459 = tpu.memref_slice %dma_wait3A_457[%add3A_453, %dma_wait3A_458] : memref<10240x128xf32, #tpu.memory_space<hbm>> -> memref<40x128xf32, #tpu.memory_space<hbm>>
    %dma_wait3A_460 = arith.constant 0 : i32
    %dma_wait3A_461 = tpu.memref_slice %arg13[%add3A_453, %dma_wait3A_460] : memref<10240x128xf32, #tpu.memory_space<vmem_shared>> -> memref<40x128xf32, #tpu.memory_space<vmem_shared>>
    tpu.wait_dma2 semaphore(%arg19 : memref<!tpu.dma_semaphore, #tpu.memory_space<semaphore_mem>>) src(%dma_wait3A_461 : memref<40x128xf32, #tpu.memory_space<vmem_shared>>) dst(%dma_wait3A_459 : memref<40x128xf32, #tpu.memory_space<hbm>>)
    %add3A_462 = arith.constant 240 : i32
    %add3A_463 = arith.addi %mul3A_13, %add3A_462 : i32
    %dma_wait3A_464 = arith.constant 0 : i32
    %dma_wait3A_465 = arith.constant 0 : i32
    %dma_wait3A_466 = tpu.memref_slice %arg5[%arg0, %dma_wait3A_464, %dma_wait3A_465] : memref<2x10240x128xf32, #tpu.memory_space<hbm>> -> memref<1x10240x128xf32, #tpu.memory_space<hbm>>
    %dma_wait3A_467 = tpu.memref_squeeze %dma_wait3A_466 : memref<1x10240x128xf32, #tpu.memory_space<hbm>> -> memref<10240x128xf32, #tpu.memory_space<hbm>>
    %dma_wait3A_468 = arith.constant 0 : i32
    %dma_wait3A_469 = tpu.memref_slice %dma_wait3A_467[%add3A_463, %dma_wait3A_468] : memref<10240x128xf32, #tpu.memory_space<hbm>> -> memref<40x128xf32, #tpu.memory_space<hbm>>
    %dma_wait3A_470 = arith.constant 0 : i32
    %dma_wait3A_471 = tpu.memref_slice %arg13[%add3A_463, %dma_wait3A_470] : memref<10240x128xf32, #tpu.memory_space<vmem_shared>> -> memref<40x128xf32, #tpu.memory_space<vmem_shared>>
    tpu.wait_dma2 semaphore(%arg20 : memref<!tpu.dma_semaphore, #tpu.memory_space<semaphore_mem>>) src(%dma_wait3A_471 : memref<40x128xf32, #tpu.memory_space<vmem_shared>>) dst(%dma_wait3A_469 : memref<40x128xf32, #tpu.memory_space<hbm>>)
    %add3A_472 = arith.constant 280 : i32
    %add3A_473 = arith.addi %mul3A_13, %add3A_472 : i32
    %dma_wait3A_474 = arith.constant 0 : i32
    %dma_wait3A_475 = arith.constant 0 : i32
    %dma_wait3A_476 = tpu.memref_slice %arg5[%arg0, %dma_wait3A_474, %dma_wait3A_475] : memref<2x10240x128xf32, #tpu.memory_space<hbm>> -> memref<1x10240x128xf32, #tpu.memory_space<hbm>>
    %dma_wait3A_477 = tpu.memref_squeeze %dma_wait3A_476 : memref<1x10240x128xf32, #tpu.memory_space<hbm>> -> memref<10240x128xf32, #tpu.memory_space<hbm>>
    %dma_wait3A_478 = arith.constant 0 : i32
    %dma_wait3A_479 = tpu.memref_slice %dma_wait3A_477[%add3A_473, %dma_wait3A_478] : memref<10240x128xf32, #tpu.memory_space<hbm>> -> memref<40x128xf32, #tpu.memory_space<hbm>>
    %dma_wait3A_480 = arith.constant 0 : i32
    %dma_wait3A_481 = tpu.memref_slice %arg13[%add3A_473, %dma_wait3A_480] : memref<10240x128xf32, #tpu.memory_space<vmem_shared>> -> memref<40x128xf32, #tpu.memory_space<vmem_shared>>
    tpu.wait_dma2 semaphore(%arg21 : memref<!tpu.dma_semaphore, #tpu.memory_space<semaphore_mem>>) src(%dma_wait3A_481 : memref<40x128xf32, #tpu.memory_space<vmem_shared>>) dst(%dma_wait3A_479 : memref<40x128xf32, #tpu.memory_space<hbm>>)
    %add3A_482 = arith.constant 320 : i32
    %add3A_483 = arith.addi %mul3A_13, %add3A_482 : i32
    %dma_wait3A_484 = arith.constant 0 : i32
    %dma_wait3A_485 = arith.constant 0 : i32
    %dma_wait3A_486 = tpu.memref_slice %arg5[%arg0, %dma_wait3A_484, %dma_wait3A_485] : memref<2x10240x128xf32, #tpu.memory_space<hbm>> -> memref<1x10240x128xf32, #tpu.memory_space<hbm>>
    %dma_wait3A_487 = tpu.memref_squeeze %dma_wait3A_486 : memref<1x10240x128xf32, #tpu.memory_space<hbm>> -> memref<10240x128xf32, #tpu.memory_space<hbm>>
    %dma_wait3A_488 = arith.constant 0 : i32
    %dma_wait3A_489 = tpu.memref_slice %dma_wait3A_487[%add3A_483, %dma_wait3A_488] : memref<10240x128xf32, #tpu.memory_space<hbm>> -> memref<40x128xf32, #tpu.memory_space<hbm>>
    %dma_wait3A_490 = arith.constant 0 : i32
    %dma_wait3A_491 = tpu.memref_slice %arg13[%add3A_483, %dma_wait3A_490] : memref<10240x128xf32, #tpu.memory_space<vmem_shared>> -> memref<40x128xf32, #tpu.memory_space<vmem_shared>>
    tpu.wait_dma2 semaphore(%arg22 : memref<!tpu.dma_semaphore, #tpu.memory_space<semaphore_mem>>) src(%dma_wait3A_491 : memref<40x128xf32, #tpu.memory_space<vmem_shared>>) dst(%dma_wait3A_489 : memref<40x128xf32, #tpu.memory_space<hbm>>)
    %add3A_492 = arith.constant 360 : i32
    %add3A_493 = arith.addi %mul3A_13, %add3A_492 : i32
    %dma_wait3A_494 = arith.constant 0 : i32
    %dma_wait3A_495 = arith.constant 0 : i32
    %dma_wait3A_496 = tpu.memref_slice %arg5[%arg0, %dma_wait3A_494, %dma_wait3A_495] : memref<2x10240x128xf32, #tpu.memory_space<hbm>> -> memref<1x10240x128xf32, #tpu.memory_space<hbm>>
    %dma_wait3A_497 = tpu.memref_squeeze %dma_wait3A_496 : memref<1x10240x128xf32, #tpu.memory_space<hbm>> -> memref<10240x128xf32, #tpu.memory_space<hbm>>
    %dma_wait3A_498 = arith.constant 0 : i32
    %dma_wait3A_499 = tpu.memref_slice %dma_wait3A_497[%add3A_493, %dma_wait3A_498] : memref<10240x128xf32, #tpu.memory_space<hbm>> -> memref<40x128xf32, #tpu.memory_space<hbm>>
    %dma_wait3A_500 = arith.constant 0 : i32
    %dma_wait3A_501 = tpu.memref_slice %arg13[%add3A_493, %dma_wait3A_500] : memref<10240x128xf32, #tpu.memory_space<vmem_shared>> -> memref<40x128xf32, #tpu.memory_space<vmem_shared>>
    tpu.wait_dma2 semaphore(%arg23 : memref<!tpu.dma_semaphore, #tpu.memory_space<semaphore_mem>>) src(%dma_wait3A_501 : memref<40x128xf32, #tpu.memory_space<vmem_shared>>) dst(%dma_wait3A_499 : memref<40x128xf32, #tpu.memory_space<hbm>>)
    %add3A_502 = arith.constant 400 : i32
    %add3A_503 = arith.addi %mul3A_13, %add3A_502 : i32
    %dma_wait3A_504 = arith.constant 0 : i32
    %dma_wait3A_505 = arith.constant 0 : i32
    %dma_wait3A_506 = tpu.memref_slice %arg5[%arg0, %dma_wait3A_504, %dma_wait3A_505] : memref<2x10240x128xf32, #tpu.memory_space<hbm>> -> memref<1x10240x128xf32, #tpu.memory_space<hbm>>
    %dma_wait3A_507 = tpu.memref_squeeze %dma_wait3A_506 : memref<1x10240x128xf32, #tpu.memory_space<hbm>> -> memref<10240x128xf32, #tpu.memory_space<hbm>>
    %dma_wait3A_508 = arith.constant 0 : i32
    %dma_wait3A_509 = tpu.memref_slice %dma_wait3A_507[%add3A_503, %dma_wait3A_508] : memref<10240x128xf32, #tpu.memory_space<hbm>> -> memref<40x128xf32, #tpu.memory_space<hbm>>
    %dma_wait3A_510 = arith.constant 0 : i32
    %dma_wait3A_511 = tpu.memref_slice %arg13[%add3A_503, %dma_wait3A_510] : memref<10240x128xf32, #tpu.memory_space<vmem_shared>> -> memref<40x128xf32, #tpu.memory_space<vmem_shared>>
    tpu.wait_dma2 semaphore(%arg19 : memref<!tpu.dma_semaphore, #tpu.memory_space<semaphore_mem>>) src(%dma_wait3A_511 : memref<40x128xf32, #tpu.memory_space<vmem_shared>>) dst(%dma_wait3A_509 : memref<40x128xf32, #tpu.memory_space<hbm>>)
    %add3A_512 = arith.constant 440 : i32
    %add3A_513 = arith.addi %mul3A_13, %add3A_512 : i32
    %dma_wait3A_514 = arith.constant 0 : i32
    %dma_wait3A_515 = arith.constant 0 : i32
    %dma_wait3A_516 = tpu.memref_slice %arg5[%arg0, %dma_wait3A_514, %dma_wait3A_515] : memref<2x10240x128xf32, #tpu.memory_space<hbm>> -> memref<1x10240x128xf32, #tpu.memory_space<hbm>>
    %dma_wait3A_517 = tpu.memref_squeeze %dma_wait3A_516 : memref<1x10240x128xf32, #tpu.memory_space<hbm>> -> memref<10240x128xf32, #tpu.memory_space<hbm>>
    %dma_wait3A_518 = arith.constant 0 : i32
    %dma_wait3A_519 = tpu.memref_slice %dma_wait3A_517[%add3A_513, %dma_wait3A_518] : memref<10240x128xf32, #tpu.memory_space<hbm>> -> memref<40x128xf32, #tpu.memory_space<hbm>>
    %dma_wait3A_520 = arith.constant 0 : i32
    %dma_wait3A_521 = tpu.memref_slice %arg13[%add3A_513, %dma_wait3A_520] : memref<10240x128xf32, #tpu.memory_space<vmem_shared>> -> memref<40x128xf32, #tpu.memory_space<vmem_shared>>
    tpu.wait_dma2 semaphore(%arg20 : memref<!tpu.dma_semaphore, #tpu.memory_space<semaphore_mem>>) src(%dma_wait3A_521 : memref<40x128xf32, #tpu.memory_space<vmem_shared>>) dst(%dma_wait3A_519 : memref<40x128xf32, #tpu.memory_space<hbm>>)
    %add3A_522 = arith.constant 480 : i32
    %add3A_523 = arith.addi %mul3A_13, %add3A_522 : i32
    %dma_wait3A_524 = arith.constant 0 : i32
    %dma_wait3A_525 = arith.constant 0 : i32
    %dma_wait3A_526 = tpu.memref_slice %arg5[%arg0, %dma_wait3A_524, %dma_wait3A_525] : memref<2x10240x128xf32, #tpu.memory_space<hbm>> -> memref<1x10240x128xf32, #tpu.memory_space<hbm>>
    %dma_wait3A_527 = tpu.memref_squeeze %dma_wait3A_526 : memref<1x10240x128xf32, #tpu.memory_space<hbm>> -> memref<10240x128xf32, #tpu.memory_space<hbm>>
    %dma_wait3A_528 = arith.constant 0 : i32
    %dma_wait3A_529 = tpu.memref_slice %dma_wait3A_527[%add3A_523, %dma_wait3A_528] : memref<10240x128xf32, #tpu.memory_space<hbm>> -> memref<40x128xf32, #tpu.memory_space<hbm>>
    %dma_wait3A_530 = arith.constant 0 : i32
    %dma_wait3A_531 = tpu.memref_slice %arg13[%add3A_523, %dma_wait3A_530] : memref<10240x128xf32, #tpu.memory_space<vmem_shared>> -> memref<40x128xf32, #tpu.memory_space<vmem_shared>>
    tpu.wait_dma2 semaphore(%arg21 : memref<!tpu.dma_semaphore, #tpu.memory_space<semaphore_mem>>) src(%dma_wait3A_531 : memref<40x128xf32, #tpu.memory_space<vmem_shared>>) dst(%dma_wait3A_529 : memref<40x128xf32, #tpu.memory_space<hbm>>)
    %add3A_532 = arith.constant 520 : i32
    %add3A_533 = arith.addi %mul3A_13, %add3A_532 : i32
    %dma_wait3A_534 = arith.constant 0 : i32
    %dma_wait3A_535 = arith.constant 0 : i32
    %dma_wait3A_536 = tpu.memref_slice %arg5[%arg0, %dma_wait3A_534, %dma_wait3A_535] : memref<2x10240x128xf32, #tpu.memory_space<hbm>> -> memref<1x10240x128xf32, #tpu.memory_space<hbm>>
    %dma_wait3A_537 = tpu.memref_squeeze %dma_wait3A_536 : memref<1x10240x128xf32, #tpu.memory_space<hbm>> -> memref<10240x128xf32, #tpu.memory_space<hbm>>
    %dma_wait3A_538 = arith.constant 0 : i32
    %dma_wait3A_539 = tpu.memref_slice %dma_wait3A_537[%add3A_533, %dma_wait3A_538] : memref<10240x128xf32, #tpu.memory_space<hbm>> -> memref<40x128xf32, #tpu.memory_space<hbm>>
    %dma_wait3A_540 = arith.constant 0 : i32
    %dma_wait3A_541 = tpu.memref_slice %arg13[%add3A_533, %dma_wait3A_540] : memref<10240x128xf32, #tpu.memory_space<vmem_shared>> -> memref<40x128xf32, #tpu.memory_space<vmem_shared>>
    tpu.wait_dma2 semaphore(%arg22 : memref<!tpu.dma_semaphore, #tpu.memory_space<semaphore_mem>>) src(%dma_wait3A_541 : memref<40x128xf32, #tpu.memory_space<vmem_shared>>) dst(%dma_wait3A_539 : memref<40x128xf32, #tpu.memory_space<hbm>>)
    %add3A_542 = arith.constant 560 : i32
    %add3A_543 = arith.addi %mul3A_13, %add3A_542 : i32
    %dma_wait3A_544 = arith.constant 0 : i32
    %dma_wait3A_545 = arith.constant 0 : i32
    %dma_wait3A_546 = tpu.memref_slice %arg5[%arg0, %dma_wait3A_544, %dma_wait3A_545] : memref<2x10240x128xf32, #tpu.memory_space<hbm>> -> memref<1x10240x128xf32, #tpu.memory_space<hbm>>
    %dma_wait3A_547 = tpu.memref_squeeze %dma_wait3A_546 : memref<1x10240x128xf32, #tpu.memory_space<hbm>> -> memref<10240x128xf32, #tpu.memory_space<hbm>>
    %dma_wait3A_548 = arith.constant 0 : i32
    %dma_wait3A_549 = tpu.memref_slice %dma_wait3A_547[%add3A_543, %dma_wait3A_548] : memref<10240x128xf32, #tpu.memory_space<hbm>> -> memref<40x128xf32, #tpu.memory_space<hbm>>
    %dma_wait3A_550 = arith.constant 0 : i32
    %dma_wait3A_551 = tpu.memref_slice %arg13[%add3A_543, %dma_wait3A_550] : memref<10240x128xf32, #tpu.memory_space<vmem_shared>> -> memref<40x128xf32, #tpu.memory_space<vmem_shared>>
    tpu.wait_dma2 semaphore(%arg23 : memref<!tpu.dma_semaphore, #tpu.memory_space<semaphore_mem>>) src(%dma_wait3A_551 : memref<40x128xf32, #tpu.memory_space<vmem_shared>>) dst(%dma_wait3A_549 : memref<40x128xf32, #tpu.memory_space<hbm>>)
    %add3A_552 = arith.constant 600 : i32
    %add3A_553 = arith.addi %mul3A_13, %add3A_552 : i32
    %dma_wait3A_554 = arith.constant 0 : i32
    %dma_wait3A_555 = arith.constant 0 : i32
    %dma_wait3A_556 = tpu.memref_slice %arg5[%arg0, %dma_wait3A_554, %dma_wait3A_555] : memref<2x10240x128xf32, #tpu.memory_space<hbm>> -> memref<1x10240x128xf32, #tpu.memory_space<hbm>>
    %dma_wait3A_557 = tpu.memref_squeeze %dma_wait3A_556 : memref<1x10240x128xf32, #tpu.memory_space<hbm>> -> memref<10240x128xf32, #tpu.memory_space<hbm>>
    %dma_wait3A_558 = arith.constant 0 : i32
    %dma_wait3A_559 = tpu.memref_slice %dma_wait3A_557[%add3A_553, %dma_wait3A_558] : memref<10240x128xf32, #tpu.memory_space<hbm>> -> memref<40x128xf32, #tpu.memory_space<hbm>>
    %dma_wait3A_560 = arith.constant 0 : i32
    %dma_wait3A_561 = tpu.memref_slice %arg13[%add3A_553, %dma_wait3A_560] : memref<10240x128xf32, #tpu.memory_space<vmem_shared>> -> memref<40x128xf32, #tpu.memory_space<vmem_shared>>
    tpu.wait_dma2 semaphore(%arg19 : memref<!tpu.dma_semaphore, #tpu.memory_space<semaphore_mem>>) src(%dma_wait3A_561 : memref<40x128xf32, #tpu.memory_space<vmem_shared>>) dst(%dma_wait3A_559 : memref<40x128xf32, #tpu.memory_space<hbm>>)
    return
  }
}

</mosaic_0001>

<sc_bundles>
// kernel: _sc_agg.3.cloned.1.call-start
scs
__scs_entry_jumppad:
0x0: {  	(pc) =	sbr.rel $0x88, $3  }
0x1: {  	(tag) =	ssettag $0x0;
	lr =	simm.s32 $0x1  }
0x2: {  	[smem:$0x3F9E] =	sst lr;
	_ =	strace $0xD0000000  }
0x3: {  	_ = 	snop  }
0x4: {  	_ = 	snop  }
0x5: {  	_ = 	snop  }
0x6: {  	_ = 	snop  }
0x7: {  	_ = 	snop  }
__scs_overlays_trampoline_lowered:
0x8: {  	[smem:$0x3FAD] =	sst s0  }
0x9: {  	[smem:$0x3FAE] =	sst s1  }
0xa: {  	[smem:$0x3FAF] =	sst s2  }
0xb: {  	[smem:$0x3FB0] =	sst s3  }
0xc: {  	[smem:$0x3FB1] =	sst s4  }
0xd: {  	[smem:$0x3FB2] =	sst s5  }
0xe: {  	[smem:$0x3FB3] =	sst s6  }
0xf: {  	[smem:$0x3FB4] =	sst s7  }
0x10: {  	[smem:$0x3FB5] =	sst s8  }
0x11: {  	[smem:$0x3FB6] =	sst s9;
	s0 =	simm.s32 @!p0 $0x0  }
0x12: {  	s1 =	sld [smem:$0x3F9C];
	s0 =	simm.s32 @p0 $0x1  }
0x13: {  	[smem:$0x3FB7] =	sst s0;
	s0 =	simm.s32 @!p1 $0x0  }
0x14: {  	s2 =	sld [smem:$0x3F9B];
	s0 =	simm.s32 @p1 $0x1  }
0x15: {  	[smem:$0x3FB8] =	sst s0;
	s0 =	simm.s32 @!p2 $0x0  }
0x16: {  	s3 =	sld [smem:$0x3FDB];
	s0 =	simm.s32 @p2 $0x1  }
0x17: {  	s4 =	simm.s32 $0x1BF5;
	[smem:$0x3FBA] =	sst s0  }
0x18: {  	s0 =	sld [smem:$0x3F9D];
	_ =	swait.ge [sflag:s4], $0x0  }
0x19: {  	s7 =	sld [smem:$0x3F9E]  }
0x1a: {  	s8 =	sadd.s32 $0xFFFFE003, lr  }
0x1b: {  	s9 =	sadd.s32 $0xFFFFFEF7, lr;
	s5 =	simm.s32 $0xFFFFFFFF;
	p2 =	slt.u32 s8, $0xFFFFF086  }
0x1c: {  	p1 =	slt.u32 s9, $0xF7A;
	s5 =	simm.s32 @!p2 $0x0  }
0x1d: {  	s5 =	simm.s32 @p1 $0x1;
	p0 =	seq.s32 s7, s2  }
0x1e: {  	s7 =	smul.u32 @!p0 $0xF7A, s2;
	p2 =	seq.s32 @!p0 s5, $0x0  }
0x1f: {  	s9 =	smul.u32 $0xF7A, s1;
	s8 =	simm.s32 @!p0 $0x1BF5;
	p2 =	por !p2, p0  }
0x20: {  	[sflag:s8] =	ssyncset.s32 @!p0 $0xFFFFF086;
	s6 =	sadd.s32 @!p0 s3, s7;
	s7 =	simm.s32 @!p0 $0x108  }
0x21: {  	s3 =	sadd.s32 s3, s9;
	s6 =	sadd.s32 @!p0 $0x88, s6;
	s7 =	simm.s32 @p2 $0x1082  }
0x22: {  	[simem:s7], [sflag:s8] =	dma.local @!p0 [hbm:s6], $0xF7A  }
0x23: {  	s9 =	sor.u32 $0xD0000000, s2;
	s6 =	simm.s32 $0x108;
	_ =	swait.ge @!p0 [sflag:s8], $0x0  }
0x24: {  	s3 =	sadd.s32 $0x88, s3;
	s6 =	simm.s32 @!p1 $0x1082;
	[sflag:s4] =	ssyncset.s32 $0xFFFFF086  }
0x25: {  	[simem:s6], [sflag:s4] =	dma.local [hbm:s3], $0xF7A  }
0x26: {  	[smem:$0x3F9E] =	sst s1;
	(tag) =	ssettag s2;
	_ =	strace s9  }
0x27: {  	s1 =	sld [smem:$0x3FAE]  }
0x28: {  	s2 =	sld [smem:$0x3FAF]  }
0x29: {  	s4 =	sld [smem:$0x3FB1]  }
0x2a: {  	p0 =	seq.s32 s5, $0x0;
	s5 =	sld [smem:$0x3FB2]  }
0x2b: {  	s6 =	sld [smem:$0x3FB3]  }
0x2c: {  	s7 =	sld [smem:$0x3FB4]  }
0x2d: {  	s3 =	simm.s32 $0x108;
	s8 =	sld [smem:$0x3FB5]  }
0x2e: {  	s3 =	simm.s32 @!p0 $0x1082;
	s9 =	sld [smem:$0x3FB6]  }
0x2f: {  	lr =	sadd.s32 s0, s3;
	s0 =	sld [smem:$0x3FAD]  }
0x30: {  	s3 =	sld [smem:$0x3FB0]  }
0x31: {  	[smem:$0x3FB9] =	sst s10  }
0x32: {  	s10 =	sld [smem:$0x3FB7];
	_ =	sdelay $0x3  }
0x33: {  	p0 =	seq.s32 s10, $0x1;
	s10 =	sld [smem:$0x3FB9];
	_ =	sdelay $0x3  }
0x34: {  	[smem:$0x3FB9] =	sst s10  }
0x35: {  	s10 =	sld [smem:$0x3FB8];
	_ =	sdelay $0x3  }
0x36: {  	p1 =	seq.s32 s10, $0x1;
	s10 =	sld [smem:$0x3FB9];
	_ =	sdelay $0x3  }
0x37: {  	[smem:$0x3FB9] =	sst s10  }
0x38: {  	s10 =	sld [smem:$0x3FBA]  }
0x39: {  	_ = 	snop;
	(pc) =	sbr.ind lr, $3  }
0x3a: {  	_ = 	snop  }
0x3b: {  	_ = 	snop  }
0x3c: {  	p2 =	seq.s32 s10, $0x1;
	s10 =	sld [smem:$0x3FB9]  }
0x3d: {  	_ =	shalt  }
0x3e: {  	_ =	shalt  }
0x3f: {  	_ =	shalt  }
0x40: {  	_ =	shalt  }
0x41: {  	_ =	shalt  }
0x42: {  	_ =	shalt  }
0x43: {  	_ =	shalt  }
0x44: {  	_ =	shalt  }
0x45: {  	_ =	shalt  }
0x46: {  	_ =	shalt  }
0x47: {  	_ =	shalt  }
0x48: {  	_ =	shalt  }
0x49: {  	_ =	shalt  }
0x4a: {  	_ =	shalt  }
0x4b: {  	_ =	shalt  }
0x4c: {  	_ =	shalt  }
0x4d: {  	_ =	shalt  }
0x4e: {  	_ =	shalt  }
0x4f: {  	_ =	shalt  }
0x50: {  	_ =	shalt  }
0x51: {  	_ =	shalt  }
0x52: {  	_ =	shalt  }
0x53: {  	_ =	shalt  }
0x54: {  	_ =	shalt  }
0x55: {  	_ =	shalt  }
0x56: {  	_ =	shalt  }
0x57: {  	_ =	shalt  }
0x58: {  	_ =	shalt  }
0x59: {  	_ =	shalt  }
0x5a: {  	_ =	shalt  }
0x5b: {  	_ =	shalt  }
0x5c: {  	_ =	shalt  }
0x5d: {  	_ =	shalt  }
0x5e: {  	_ =	shalt  }
0x5f: {  	_ =	shalt  }
0x60: {  	_ =	shalt  }
0x61: {  	_ =	shalt  }
0x62: {  	_ =	shalt  }
0x63: {  	_ =	shalt  }
0x64: {  	_ =	shalt  }
0x65: {  	_ =	shalt  }
0x66: {  	_ =	shalt  }
0x67: {  	_ =	shalt  }
0x68: {  	_ =	shalt  }
0x69: {  	_ =	shalt  }
0x6a: {  	_ =	shalt  }
0x6b: {  	_ =	shalt  }
0x6c: {  	_ =	shalt  }
0x6d: {  	_ =	shalt  }
0x6e: {  	_ =	shalt  }
0x6f: {  	_ =	shalt  }
0x70: {  	_ =	shalt  }
0x71: {  	_ =	shalt  }
0x72: {  	_ =	shalt  }
0x73: {  	_ =	shalt  }
0x74: {  	_ =	shalt  }
0x75: {  	_ =	shalt  }
0x76: {  	_ =	shalt  }
0x77: {  	_ =	shalt  }
0x78: {  	_ =	shalt  }
0x79: {  	_ =	shalt  }
0x7a: {  	_ =	shalt  }
0x7b: {  	_ =	shalt  }
0x7c: {  	_ =	shalt  }
0x7d: {  	_ =	shalt  }
0x7e: {  	_ =	shalt  }
0x7f: {  	_ =	shalt  }
0x80: {  	_ =	shalt  }
0x81: {  	_ =	shalt  }
0x82: {  	_ =	shalt  }
0x83: {  	_ =	shalt  }
0x84: {  	_ =	shalt  }
0x85: {  	_ =	shalt  }
0x86: {  	_ =	shalt  }
0x87: {  	_ =	shalt  }
.Lfunc_end0:
.L_simem_size_0:
called_computation_lowered:
.L_overlay_start_0:
0x88: {  	s2 =	sld [smem:$0x3FD9]  }
0x89: {  	s3 =	sld [smem:$0x3FFE];
	_ =	sdelay $0x1  }
0x8a: {  	s1 =	srdreg.scid  }
0x8b: {  	s0 =	sand.u32 $0x1, s1  }
0x8c: {  	s18 =	sshll.u32 s0, $0xA;
	s2 =	sadd.s32 s3, s2  }
0x8d: {  	s2 =	sadd.s32 s2, s18  }
0x8e: {  	[smem:$0x3FC5] =	sst s2  }
0x8f: {  	_ = 	snop  }
0x90: {  	s2 =	sld [smem:$0x3FC9]  }
0x91: {  	s19 =	sld [smem:$0x3FC8]  }
0x92: {  	s4 =	sld [smem:$0x3FC7]  }
0x93: {  	s5 =	sld [smem:$0x3FD0];
	(tm) =	ssettm $0x1  }
0x94: {  	s6 =	sld [smem:$0x3FFB];
	_ =	sdelay $0x3  }
0x95: {  	_ =	strace s6  }
0x96: {  	s6 =	sld [smem:$0x3FFC];
	_ =	sdelay $0x3  }
0x97: {  	_ =	strace s6  }
0x98: {  	s6 =	sld [smem:$0x3FFD];
	_ =	sdelay $0x3  }
0x99: {  	_ =	strace s6  }
0x9a: {  	_ =	strace $0x8FFFFFFF  }
0x9b: {  	s20 =	sld [smem:$0x3FDB];
	_ =	sdelay $0x1  }
0x9c: {  	s7 =	simm.s32 $_scs_section_size  }
0x9d: {  	s8 =	simm.s32 $_size__tile_overlayer_lowered;
	s9 =	simm.s32 $_tile_overlayer_lowered  }
0x9e: {  	s23 =	simm.s32 $0x1BFF;
	s22 =	sshll.u32 s9, $0x1;
	s6 =	sadd.s32 s7, s20  }
0x9f: {  	s10 =	simm.s32 $0x0;
	s21 =	sshll.u32 s8, $0x1;
	s8 =	sadd.s32 s22, s6  }
0xa0: {  	[timem:s10], [sflag:s23] =	dma.local [hbm:s8], s21  }
0xa1: {  	_ =	swait.ge [sflag:s23], s21  }
0xa2: {  	s7 =	ssub.s32 $0x0, s21;
	[sflag:s23] =	ssyncset.done $0x0  }
0xa3: {  	[sflag:s23] =	ssyncadd.s32 s7;
	_ =	sdelay $0x1  }
0xa4: {  	s24 =	simm.s32 $0x1B8B  }
0xa5: {  	_ =	swait.ge [sflag:s24], $0x1  }
0xa6: {  	[sflag:s24] =	ssyncset.done $0x0  }
0xa7: {  	s25 =	simm.s32 $0x1B8E;
	[sflag:s24] =	ssyncadd.s32 $0xFFFFFFFF  }
0xa8: {  	s26 =	simm.s32 $execute0_lowered;
	[smem:$0x3FD2] =	sst s25  }
0xa9: {  	s7 =	sshll.u32 s26, $0x1;
	_ =	strace $0x80000046;
	[dreg:$0x1] =	wrdreg $0xFFFFFFFF  }
0xaa: {  	s28 =	simm.s32 $_size_execute0_lowered;
	s6 =	sadd.s32 s6, s7;
	[dreg:$0x0] =	wrdreg $0x0  }
0xab: {  	s7 =	sshll.u32 s28, $0x1;
	[dreg:$0x2] =	wrdreg s6  }
0xac: {  	[dreg:$0x3] =	wrdreg s7  }
0xad: {  	[dreg:$0x4] =	wrdreg $0xC0  }
0xae: {  	_ =	task [dreg:s10], $0x5FFFF  }
0xaf: {  	[dreg:$0x1] =	wrdreg $0xFFFFFFFF  }
0xb0: {  	[dreg:$0x0] =	wrdreg $0x60  }
0xb1: {  	[dreg:$0x2] =	wrdreg s2  }
0xb2: {  	[dreg:$0x3] =	wrdreg s19  }
0xb3: {  	[dreg:$0x4] =	wrdreg s4  }
0xb4: {  	[dreg:$0x5] =	wrdreg s5  }
0xb5: {  	[dreg:$0x6] =	wrdreg $0xB3000  }
0xb6: {  	[dreg:$0x7] =	wrdreg $0x9  }
0xb7: {  	_ =	task.clear_ibuf [dreg:s10], $0x8FFFF;
	_ =	strace $0x90000046  }
0xb8: {  	s29 =	simm.s32 $0x9;
	_ =	strace $0x80000048  }
0xb9: {  	_ =	swait.ge [sflag:s29], $0x1  }
0xba: {  	[sflag:s29] =	ssyncadd.s32 $0xFFFFFFFF  }
0xbb: {  	_ =	strace $0x90000048  }
0xbc: {  	_ =	sfence  }
0xbd: {  	s30 =	sld [smem:$0x0];
	_ =	sdelay $0x2  }
0xbe: {  	s31 =	sshll.u32 s1, $0xD;
	s1 =	sshrl.u32 s1, $0x2  }
0xbf: {  	s3 =	sand.u32 $0x4000, s31;
	s1 =	sadd.s32 s1, s30  }
0xc0: {  	s0 =	sor.u32 s3, s0;
	s1 =	sshll.u32 s1, $0x11  }
0xc1: {  	s0 =	sor.u32 s1, s0  }
0xc2: {  	s0 =	sadd.s32 $0x8F2B, s0  }
0xc3: {  	[sflag:s0] =	ssyncadd.remote.s32 $0x1  }
0xc4: {  	_ =	sfence.sel $0xFFFF  }
0xc5: {  	[dreg:$0x0] =	wrdreg $0xFFFFFFFF;
	(pc) =	sbr.abs _section_cstart, $3  }
0xc6: {  	[dreg:$0x1] =	wrdreg $0xFFFFFFFF  }
0xc7: {  	_ =	task.clear_ibuf [dreg:s10], $0x2FFFF;
	_ =	strace $0x9FFFFFFF  }
0xc8: {  	(tm) =	ssettm $0x7FFFFFFF  }
0xc9: {  	_ =	shalt  }
tec
execute0_lowered:
.L_overlay_start_1:
0x0: {  	(tag) =	ssettag $0x1  }
0x1: {  	s0 =	srdreg.scid;
	s1 =	rddreg [dreg:$0x1]  }
0x2: {  	s22 =	stileid.u32;
	s2 =	rddreg [dreg:$0x2]  }
0x3: {  	s8 =	rddreg [dreg:$0x3];
	s7 =	simm.s32 $0x0;
	s6 =	smul.u32 $0x280, s22  }
0x4: {  	s4 =	sand.u32 $0x1, s0;
	s30 =	sshll.u32 s22, $0x1;
	s31 =	smul.u32 $0x2800, s22  }
0x5: {  	s0 =	sor.u32 s4, s30;
	s3 =	ssub.s32 $0x2, s4;
	s17 =	smul.u32 $0x28000, s4  }
0x6: {  	[smem:$0x7FF] =	sst s7;
	s0 =	smul.u32 $0x4E2, s0;
	s5 =	sshrl.u32 s3, $0x1  }
0x7: {  	s9 =	sor.u32 $0x28, s6;
	s10 =	sor.u32 $0x50, s6;
	s11 =	sor.u32 $0x78, s6  }
0x8: {  	s12 =	sadd.s32 $0xA0, s6;
	s13 =	sadd.s32 $0xC8, s6;
	s14 =	sadd.s32 $0xF0, s6  }
0x9: {  	s15 =	sadd.s32 $0x118, s6;
	s16 =	sadd.s32 $0x140, s6;
	s4 =	sadd.s32 $0x208, s6  }
0xa: {  	s7 =	ssub.s32 s3, s5;
	s3 =	sadd.s32 $0x1E0, s6;
	s5 =	sadd.s32 $0x230, s6  }
0xb: {  	s8 =	sadd.s32 s8, s17;
	s18 =	sshll.u32 s9, $0x4;
	s19 =	sshll.u32 s10, $0x4  }
0xc: {  	s20 =	sshll.u32 s11, $0x4;
	s21 =	sshll.u32 s12, $0x4;
	s28 =	sshll.u32 s13, $0x4  }
0xd: {  	s29 =	sshll.u32 s14, $0x4;
	s30 =	sshll.u32 s15, $0x4;
	s1 =	sadd.s32 s1, s0  }
0xe: {  	s9 =	sshll.u32 s9, $0x7;
	s0 =	sadd.s32 s2, s0;
	[dreg:$0x6] =	wrdreg s1  }
0xf: {  	s2 =	sadd.s32 $0x1B8, s6;
	s17 =	sadd.s32 s31, s8;
	[dreg:$0x7] =	wrdreg s0  }
0x10: {  	s23 =	sadd.s32 s18, s8;
	s24 =	sadd.s32 s19, s8;
	[dreg:$0x8] =	wrdreg s17  }
0x11: {  	s25 =	sadd.s32 s20, s8;
	s26 =	sadd.s32 s21, s8;
	[dreg:$0x9] =	wrdreg s23  }
0x12: {  	s31 =	sadd.s32 s30, s8;
	s18 =	sshll.u32 s16, $0x4;
	[dreg:$0xa] =	wrdreg s24  }
0x13: {  	s0 =	sadd.s32 $0x168, s6;
	s1 =	sadd.s32 $0x190, s6;
	[dreg:$0xb] =	wrdreg s25  }
0x14: {  	s6 =	sadd.s32 $0x258, s6;
	[dreg:$0xc] =	wrdreg s26;
	s17 =	sadd.s32 s28, s8  }
0x15: {  	[dreg:$0xf] =	wrdreg s31;
	s23 =	sshll.u32 s2, $0x4;
	s24 =	sshll.u32 s3, $0x4  }
0x16: {  	s25 =	sshll.u32 s4, $0x4;
	s28 =	smul.u32 $0x50000, s22;
	s22 =	sshll.u32 s12, $0x7  }
0x17: {  	s2 =	sshll.u32 s2, $0x7;
	s3 =	sshll.u32 s3, $0x7;
	s4 =	sshll.u32 s4, $0x7  }
0x18: {  	s12 =	simm.s32 $0x8;
	[dreg:$0xd] =	wrdreg s17;
	s17 =	sadd.s32 s29, s8  }
0x19: {  	s19 =	sshll.u32 s0, $0x4;
	s20 =	sshll.u32 s1, $0x4;
	s26 =	sadd.s32 s25, s8  }
0x1a: {  	s29 =	sshll.u32 s5, $0x4;
	s30 =	sshll.u32 s6, $0x4;
	s25 =	sshll.u32 s14, $0x7  }
0x1b: {  	s0 =	sshll.u32 s0, $0x7;
	s1 =	sshll.u32 s1, $0x7;
	[dreg:$0xe] =	wrdreg s17  }
0x1c: {  	s5 =	sshll.u32 s5, $0x7;
	s6 =	sshll.u32 s6, $0x7;
	[dreg:$0x15] =	wrdreg s26  }
0x1d: {  	s17 =	sadd.s32 s18, s8;
	s21 =	sadd.s32 s20, s8;
	s20 =	rddreg [dreg:$0x4]  }
0x1e: {  	s14 =	simm.s32 $0xA;
	s18 =	sadd.s32 s29, s8;
	[dreg:$0x10] =	wrdreg s17  }
0x1f: {  	s31 =	sshrl.u32 s28, $0x2;
	s26 =	sshll.u32 s15, $0x7;
	[dreg:$0x12] =	wrdreg s21  }
0x20: {  	s28 =	sshll.u32 s16, $0x7;
	s17 =	sadd.s32 s19, s8;
	s19 =	rddreg [dreg:$0x0]  }
0x21: {  	s15 =	simm.s32 $0x1;
	s16 =	simm.s32 $0x2;
	[dreg:$0x16] =	wrdreg s18  }
0x22: {  	s21 =	sshll.u32 s11, $0x7;
	s29 =	sadd.s32 s28, s20;
	s0 =	sadd.s32 s0, s20  }
0x23: {  	s2 =	sadd.s32 s2, s20;
	s3 =	sadd.s32 s3, s20;
	s4 =	sadd.s32 s4, s20  }
0x24: {  	s5 =	sadd.s32 s5, s20;
	[dreg:$0x11] =	wrdreg s17;
	s17 =	sadd.s32 s23, s8  }
0x25: {  	s6 =	sadd.s32 s6, s20;
	[dreg:$0x13] =	wrdreg s17;
	s17 =	sadd.s32 s24, s8  }
0x26: {  	s11 =	simm.s32 $0x7;
	s8 =	sadd.s32 s30, s8;
	[dreg:$0x14] =	wrdreg s17  }
0x27: {  	s23 =	sshll.u32 s13, $0x7;
	[dreg:$0x17] =	wrdreg s8;
	s8 =	sadd.s32 s31, s20  }
0x28: {  	s24 =	sadd.s32 s23, s20;
	_ =	strace $0x80000047;
	[dreg:$0x18] =	wrdreg s8  }
0x29: {  	s13 =	simm.s32 $0x9;
	s30 =	sadd.s32 s1, s20;
	[dreg:$0x1d] =	wrdreg s24  }
0x2a: {  	s1 =	simm.s32 $0x2780;
	s23 =	simm.s32 $0x3;
	[smem:$0x7FA] =	sst s29  }
0x2b: {  	s17 =	sshll.u32 s10, $0x7;
	s31 =	smax.u32 s7, $0x1;
	[smem:$0x7FB] =	sst s0  }
0x2c: {  	s10 =	simm.s32 $0x6;
	s7 =	simm.s32 $0x9F00;
	[smem:$0x7FC] =	sst s30  }
0x2d: {  	s8 =	sadd.s32 s9, s20;
	s18 =	sadd.s32 s17, s20;
	[smem:$0x7FD] =	sst s31  }
0x2e: {  	s9 =	simm.s32 $0x4F00;
	s24 =	simm.s32 $0x4;
	[dreg:$0x19] =	wrdreg s8  }
0x2f: {  	[dreg:$0x1a] =	wrdreg s18;
	s8 =	sadd.s32 s21, s20;
	s18 =	simm.s32 $0x28  }
0x30: {  	s21 =	simm.s32 $0x6300;
	[dreg:$0x1b] =	wrdreg s8;
	s8 =	sadd.s32 s22, s20  }
0x31: {  	s22 =	simm.s32 $0x7700;
	[dreg:$0x1c] =	wrdreg s8;
	s8 =	sadd.s32 s25, s20  }
0x32: {  	s25 =	simm.s32 $0x5;
	[dreg:$0x1e] =	wrdreg s8;
	s8 =	sadd.s32 s26, s20  }
0x33: {  	v0 =	vimm.f32 $0.0e+00;
	s26 =	simm.s32 $0x0;
	[dreg:$0x1f] =	wrdreg s8;
	s8 =	simm.s32 $0x8B00  }
.LBB2_1:
0x34: {  	s0 =	simm.s32 $0x0;
	s17 =	rddreg [dreg:$0x6]  }
0x35: {  	[tilespmem:s0], [sflag:$0x1] =	stream.linear.gather [hbm4b:s17+s0], $0x2710, $0x38;
	[tilespmem:$0x1F300] =	vst v63  }
0x36: {  	s31 =	rddreg [dreg:$0x7];
	s28 =	simm.s32 $0x0;
	s29 =	simm.s32 $0x200  }
0x37: {  	[tilespmem:s1], [sflag:$0x2] =	stream.linear.gather [hbm4b:s31+s0], $0x2710, $0x38;
	[tilespmem:$0x1F300] =	vst v63  }
.LBB2_2:
0x38: {  	p0 =	sne.s32 s29, $0x4E00;
	[tilespmem:s28+$0x4F70] =	vst v0  }
0x39: {  	[tilespmem:s28+$0x4F00] =	vst v0  }
0x3a: {  	[tilespmem:s28+$0x4F10] =	vst v0  }
.Ltmp0:
0x3b: {  	[tilespmem:s28+$0x4F20] =	vst v0;
	(pc) =	sbr.rel @p0 .LBB2_2-.Ltmp0, $4  }
0x3c: {  	[tilespmem:s28+$0x4F30] =	vst v0  }
0x3d: {  	[tilespmem:s28+$0x4F40] =	vst v0  }
0x3e: {  	[tilespmem:s28+$0x4F50] =	vst v0  }
0x3f: {  	[tilespmem:s28+$0x4F60] =	vst v0;
	s28 =	sshra.s32 s29, $0x2;
	s29 =	sadd.s32 $0x200, s29  }
0x40: {  	[tilespmem:s28+$0x4F70] =	vst v0  }
0x41: {  	[tilespmem:s28+$0x4F00] =	vst v0  }
0x42: {  	[tilespmem:s28+$0x4F10] =	vst v0  }
0x43: {  	[tilespmem:s28+$0x4F20] =	vst v0  }
0x44: {  	[tilespmem:s28+$0x4F30] =	vst v0  }
0x45: {  	[tilespmem:s28+$0x4F40] =	vst v0  }
0x46: {  	[tilespmem:s28+$0x4F50] =	vst v0;
	s0 =	rddreg [dreg:$0x18]  }
0x47: {  	[tilespmem:s28+$0x4F60] =	vst v0;
	s31 =	rddreg [dreg:$0x19]  }
0x48: {  	[spmem:s0] =	stream.linear.scatter [tilespmem:s9], [sflag:$0x6], $0x1400, $0x38;
	[tilespmem:$0x1F300] =	vst v63  }
0x49: {  	s17 =	rddreg [dreg:$0x1a]  }
0x4a: {  	[spmem:s31] =	stream.linear.scatter [tilespmem:s9], [sflag:$0x7], $0x1400, $0x38;
	[tilespmem:$0x1F300] =	vst v63  }
0x4b: {  	s30 =	rddreg [dreg:$0x1b]  }
0x4c: {  	[spmem:s17] =	stream.linear.scatter [tilespmem:s9], [sflag:$0x8], $0x1400, $0x38;
	[tilespmem:$0x1F300] =	vst v63  }
0x4d: {  	s31 =	rddreg [dreg:$0x1c]  }
0x4e: {  	[spmem:s30] =	stream.linear.scatter [tilespmem:s9], [sflag:$0x9], $0x1400, $0x38;
	[tilespmem:$0x1F300] =	vst v63  }
0x4f: {  	s17 =	rddreg [dreg:$0x1d]  }
0x50: {  	[spmem:s31] =	stream.linear.scatter [tilespmem:s9], [sflag:$0xA], $0x1400, $0x38;
	[tilespmem:$0x1F300] =	vst v63  }
0x51: {  	s30 =	rddreg [dreg:$0x1e]  }
0x52: {  	[spmem:s17] =	stream.linear.scatter [tilespmem:s9], [sflag:$0x6], $0x1400, $0x38;
	[tilespmem:$0x1F300] =	vst v63  }
0x53: {  	s31 =	rddreg [dreg:$0x1f]  }
0x54: {  	[spmem:s30] =	stream.linear.scatter [tilespmem:s9], [sflag:$0x7], $0x1400, $0x38;
	[tilespmem:$0x1F300] =	vst v63  }
0x55: {  	s17 =	sld [smem:$0x7FA]  }
0x56: {  	[spmem:s31] =	stream.linear.scatter [tilespmem:s9], [sflag:$0x8], $0x1400, $0x38;
	[tilespmem:$0x1F300] =	vst v63  }
0x57: {  	s30 =	sld [smem:$0x7FB]  }
0x58: {  	[spmem:s17] =	stream.linear.scatter [tilespmem:s9], [sflag:$0x9], $0x1400, $0x38;
	[tilespmem:$0x1F300] =	vst v63  }
0x59: {  	s31 =	sld [smem:$0x7FC]  }
0x5a: {  	[spmem:s30] =	stream.linear.scatter [tilespmem:s9], [sflag:$0xA], $0x1400, $0x38;
	[tilespmem:$0x1F300] =	vst v63  }
0x5b: {  	_ = 	snop  }
0x5c: {  	[spmem:s31] =	stream.linear.scatter [tilespmem:s9], [sflag:$0x6], $0x1400, $0x38;
	[tilespmem:$0x1F300] =	vst v63  }
0x5d: {  	_ = 	snop  }
0x5e: {  	[spmem:s2] =	stream.linear.scatter [tilespmem:s9], [sflag:$0x7], $0x1400, $0x38;
	[tilespmem:$0x1F300] =	vst v63  }
0x5f: {  	_ = 	snop  }
0x60: {  	[spmem:s3] =	stream.linear.scatter [tilespmem:s9], [sflag:$0x8], $0x1400, $0x38;
	[tilespmem:$0x1F300] =	vst v63  }
0x61: {  	_ = 	snop  }
0x62: {  	[spmem:s4] =	stream.linear.scatter [tilespmem:s9], [sflag:$0x9], $0x1400, $0x38;
	[tilespmem:$0x1F300] =	vst v63  }
0x63: {  	_ = 	snop  }
0x64: {  	[spmem:s5] =	stream.linear.scatter [tilespmem:s9], [sflag:$0xA], $0x1400, $0x38;
	[tilespmem:$0x1F300] =	vst v63  }
0x65: {  	_ = 	snop  }
0x66: {  	[spmem:s6] =	stream.linear.scatter [tilespmem:s9], [sflag:$0x6], $0x1400, $0x38;
	[tilespmem:$0x1F300] =	vst v63  }
0x67: {  	_ =	swait.ge [sflag:s10], $0x1400  }
0x68: {  	[sflag:s10] =	ssyncset.done $0x0  }
0x69: {  	[sflag:s10] =	ssyncadd.s32 $0xFFFFEC00  }
0x6a: {  	_ =	swait.ge [sflag:s11], $0x1400  }
0x6b: {  	[sflag:s11] =	ssyncset.done $0x0  }
0x6c: {  	[sflag:s11] =	ssyncadd.s32 $0xFFFFEC00  }
0x6d: {  	_ =	swait.ge [sflag:s12], $0x1400  }
0x6e: {  	[sflag:s12] =	ssyncset.done $0x0  }
0x6f: {  	[sflag:s12] =	ssyncadd.s32 $0xFFFFEC00  }
0x70: {  	_ =	swait.ge [sflag:s13], $0x1400  }
0x71: {  	[sflag:s13] =	ssyncset.done $0x0  }
0x72: {  	[sflag:s13] =	ssyncadd.s32 $0xFFFFEC00  }
0x73: {  	_ =	swait.ge [sflag:s14], $0x1400  }
0x74: {  	[sflag:s14] =	ssyncset.done $0x0  }
0x75: {  	[sflag:s14] =	ssyncadd.s32 $0xFFFFEC00  }
0x76: {  	_ =	swait.ge [sflag:s10], $0x1400  }
0x77: {  	[sflag:s10] =	ssyncset.done $0x0  }
0x78: {  	[sflag:s10] =	ssyncadd.s32 $0xFFFFEC00  }
0x79: {  	_ =	swait.ge [sflag:s11], $0x1400  }
0x7a: {  	[sflag:s11] =	ssyncset.done $0x0  }
0x7b: {  	[sflag:s11] =	ssyncadd.s32 $0xFFFFEC00  }
0x7c: {  	_ =	swait.ge [sflag:s12], $0x1400  }
0x7d: {  	[sflag:s12] =	ssyncset.done $0x0  }
0x7e: {  	[sflag:s12] =	ssyncadd.s32 $0xFFFFEC00  }
0x7f: {  	_ =	swait.ge [sflag:s13], $0x1400  }
0x80: {  	[sflag:s13] =	ssyncset.done $0x0  }
0x81: {  	[sflag:s13] =	ssyncadd.s32 $0xFFFFEC00  }
0x82: {  	_ =	swait.ge [sflag:s14], $0x1400  }
0x83: {  	[sflag:s14] =	ssyncset.done $0x0  }
0x84: {  	[sflag:s14] =	ssyncadd.s32 $0xFFFFEC00  }
0x85: {  	_ =	swait.ge [sflag:s10], $0x1400  }
0x86: {  	[sflag:s10] =	ssyncset.done $0x0  }
0x87: {  	[sflag:s10] =	ssyncadd.s32 $0xFFFFEC00  }
0x88: {  	_ =	swait.ge [sflag:s11], $0x1400  }
0x89: {  	[sflag:s11] =	ssyncset.done $0x0  }
0x8a: {  	[sflag:s11] =	ssyncadd.s32 $0xFFFFEC00  }
0x8b: {  	_ =	swait.ge [sflag:s12], $0x1400  }
0x8c: {  	[sflag:s12] =	ssyncset.done $0x0  }
0x8d: {  	[sflag:s12] =	ssyncadd.s32 $0xFFFFEC00  }
0x8e: {  	_ =	swait.ge [sflag:s13], $0x1400  }
0x8f: {  	[sflag:s13] =	ssyncset.done $0x0  }
0x90: {  	[sflag:s13] =	ssyncadd.s32 $0xFFFFEC00  }
0x91: {  	_ =	swait.ge [sflag:s14], $0x1400  }
0x92: {  	[sflag:s14] =	ssyncset.done $0x0  }
0x93: {  	[sflag:s14] =	ssyncadd.s32 $0xFFFFEC00  }
0x94: {  	_ =	swait.ge [sflag:s10], $0x1400  }
0x95: {  	[sflag:s10] =	ssyncset.done $0x0  }
0x96: {  	[sflag:s10] =	ssyncadd.s32 $0xFFFFEC00  }
0x97: {  	_ =	swait.ge [sflag:s15], $0x2710  }
0x98: {  	[sflag:s15] =	ssyncset.done $0x0  }
0x99: {  	[sflag:s15] =	ssyncadd.s32 $0xFFFFD8F0  }
0x9a: {  	_ =	swait.ge [sflag:s16], $0x2710  }
0x9b: {  	[sflag:s16] =	ssyncset.done $0x0  }
0x9c: {  	[sflag:s16] =	ssyncadd.s32 $0xFFFFD8F0  }
0x9d: {  	s28 =	simm.s32 $0x0;
	[bflag:$0x0] =	sbarrier.arrive $0xFFFF  }
0x9e: {  	[tilespmem:s9], [sflag:$0x1] =	stream.indirect.gather [hbm4b:s19+s18], $0x80, s28, s18, $0xb8;
	[tilespmem:$0x1F300] =	vst v63  }
0x9f: {  	_ = 	snop  }
0xa0: {  	[tilespmem:s21], [sflag:$0x2] =	stream.indirect.gather [hbm4b:s19+s18], $0x80, s18, s18, $0xb8;
	[tilespmem:$0x1F300] =	vst v63  }
0xa1: {  	s17 =	simm.s32 $0x50  }
0xa2: {  	[tilespmem:s22], [sflag:$0x3] =	stream.indirect.gather [hbm4b:s19+s18], $0x80, s17, s18, $0xb8;
	[tilespmem:$0x1F300] =	vst v63  }
0xa3: {  	s30 =	simm.s32 $0x78  }
0xa4: {  	[tilespmem:s8], [sflag:$0x4] =	stream.indirect.gather [hbm4b:s19+s18], $0x80, s30, s18, $0xb8;
	[tilespmem:$0x1F300] =	vst v63  }
0xa5: {  	s31 =	simm.s32 $0xA0  }
0xa6: {  	[tilespmem:s7], [sflag:$0x5] =	stream.indirect.gather [hbm4b:s19+s18], $0x80, s31, s18, $0xb8;
	[tilespmem:$0x1F300] =	vst v63  }
0xa7: {  	_ =	swait.ge [sflag:s15], $0x1400  }
0xa8: {  	[sflag:s15] =	ssyncset.done $0x0  }
0xa9: {  	[sflag:s15] =	ssyncadd.s32 $0xFFFFEC00  }
0xaa: {  	[spmem:s20] =	stream.indirect.scatter.add.f32 [tilespmem:s9], [sflag:$0x6], $0x80, s1, s18, $0xb8;
	[tilespmem:$0x1F300] =	vst v63  }
0xab: {  	_ =	swait.ge [sflag:s16], $0x1400  }
0xac: {  	[sflag:s16] =	ssyncset.done $0x0  }
0xad: {  	s1 =	simm.s32 $0x27A8;
	[sflag:s16] =	ssyncadd.s32 $0xFFFFEC00  }
0xae: {  	[spmem:s20] =	stream.indirect.scatter.add.f32 [tilespmem:s21], [sflag:$0x7], $0x80, s1, s18, $0xb8;
	[tilespmem:$0x1F300] =	vst v63  }
0xaf: {  	_ =	swait.ge [sflag:s23], $0x1400  }
0xb0: {  	[sflag:s23] =	ssyncset.done $0x0  }
0xb1: {  	s17 =	simm.s32 $0x27D0;
	[sflag:s23] =	ssyncadd.s32 $0xFFFFEC00  }
0xb2: {  	[spmem:s20] =	stream.indirect.scatter.add.f32 [tilespmem:s22], [sflag:$0x8], $0x80, s17, s18, $0xb8;
	[tilespmem:$0x1F300] =	vst v63  }
0xb3: {  	_ =	swait.ge [sflag:s24], $0x1400  }
0xb4: {  	[sflag:s24] =	ssyncset.done $0x0  }
0xb5: {  	s30 =	simm.s32 $0x27F8;
	[sflag:s24] =	ssyncadd.s32 $0xFFFFEC00  }
0xb6: {  	[spmem:s20] =	stream.indirect.scatter.add.f32 [tilespmem:s8], [sflag:$0x9], $0x80, s30, s18, $0xb8;
	[tilespmem:$0x1F300] =	vst v63  }
0xb7: {  	_ =	swait.ge [sflag:s25], $0x1400  }
0xb8: {  	[sflag:s25] =	ssyncset.done $0x0  }
0xb9: {  	s31 =	simm.s32 $0x2820;
	[sflag:s25] =	ssyncadd.s32 $0xFFFFEC00  }
0xba: {  	[spmem:s20] =	stream.indirect.scatter.add.f32 [tilespmem:s7], [sflag:$0xA], $0x80, s31, s18, $0xb8;
	[tilespmem:$0x1F300] =	vst v63  }
0xbb: {  	_ =	swait.ge [sflag:s10], $0x1400  }
0xbc: {  	[sflag:s10] =	ssyncset.done $0x0  }
0xbd: {  	s28 =	simm.s32 $0xC8;
	[sflag:s10] =	ssyncadd.s32 $0xFFFFEC00  }
0xbe: {  	[tilespmem:s9], [sflag:$0x1] =	stream.indirect.gather [hbm4b:s19+s18], $0x80, s28, s18, $0xb8;
	[tilespmem:$0x1F300] =	vst v63  }
0xbf: {  	_ =	swait.ge [sflag:s11], $0x1400  }
0xc0: {  	[sflag:s11] =	ssyncset.done $0x0  }
0xc1: {  	s28 =	simm.s32 $0xF0;
	[sflag:s11] =	ssyncadd.s32 $0xFFFFEC00  }
0xc2: {  	[tilespmem:s21], [sflag:$0x2] =	stream.indirect.gather [hbm4b:s19+s18], $0x80, s28, s18, $0xb8;
	[tilespmem:$0x1F300] =	vst v63  }
0xc3: {  	_ =	swait.ge [sflag:s12], $0x1400  }
0xc4: {  	[sflag:s12] =	ssyncset.done $0x0  }
0xc5: {  	s28 =	simm.s32 $0x118;
	[sflag:s12] =	ssyncadd.s32 $0xFFFFEC00  }
0xc6: {  	[tilespmem:s22], [sflag:$0x3] =	stream.indirect.gather [hbm4b:s19+s18], $0x80, s28, s18, $0xb8;
	[tilespmem:$0x1F300] =	vst v63  }
0xc7: {  	_ =	swait.ge [sflag:s13], $0x1400  }
0xc8: {  	[sflag:s13] =	ssyncset.done $0x0  }
0xc9: {  	s28 =	simm.s32 $0x140;
	[sflag:s13] =	ssyncadd.s32 $0xFFFFEC00  }
0xca: {  	[tilespmem:s8], [sflag:$0x4] =	stream.indirect.gather [hbm4b:s19+s18], $0x80, s28, s18, $0xb8;
	[tilespmem:$0x1F300] =	vst v63  }
0xcb: {  	_ =	swait.ge [sflag:s14], $0x1400  }
0xcc: {  	[sflag:s14] =	ssyncset.done $0x0  }
0xcd: {  	s28 =	simm.s32 $0x168;
	[sflag:s14] =	ssyncadd.s32 $0xFFFFEC00  }
0xce: {  	[tilespmem:s7], [sflag:$0x5] =	stream.indirect.gather [hbm4b:s19+s18], $0x80, s28, s18, $0xb8;
	[tilespmem:$0x1F300] =	vst v63  }
0xcf: {  	_ =	swait.ge [sflag:s15], $0x1400  }
0xd0: {  	[sflag:s15] =	ssyncset.done $0x0  }
0xd1: {  	s28 =	simm.s32 $0x2848;
	[sflag:s15] =	ssyncadd.s32 $0xFFFFEC00  }
0xd2: {  	[spmem:s20] =	stream.indirect.scatter.add.f32 [tilespmem:s9], [sflag:$0x6], $0x80, s28, s18, $0xb8;
	[tilespmem:$0x1F300] =	vst v63  }
0xd3: {  	_ =	swait.ge [sflag:s16], $0x1400  }
0xd4: {  	[sflag:s16] =	ssyncset.done $0x0  }
0xd5: {  	s28 =	simm.s32 $0x2870;
	[sflag:s16] =	ssyncadd.s32 $0xFFFFEC00  }
0xd6: {  	[spmem:s20] =	stream.indirect.scatter.add.f32 [tilespmem:s21], [sflag:$0x7], $0x80, s28, s18, $0xb8;
	[tilespmem:$0x1F300] =	vst v63  }
0xd7: {  	_ =	swait.ge [sflag:s23], $0x1400  }
0xd8: {  	[sflag:s23] =	ssyncset.done $0x0  }
0xd9: {  	s28 =	simm.s32 $0x2898;
	[sflag:s23] =	ssyncadd.s32 $0xFFFFEC00  }
0xda: {  	[spmem:s20] =	stream.indirect.scatter.add.f32 [tilespmem:s22], [sflag:$0x8], $0x80, s28, s18, $0xb8;
	[tilespmem:$0x1F300] =	vst v63  }
0xdb: {  	_ =	swait.ge [sflag:s24], $0x1400  }
0xdc: {  	[sflag:s24] =	ssyncset.done $0x0  }
0xdd: {  	s28 =	simm.s32 $0x28C0;
	[sflag:s24] =	ssyncadd.s32 $0xFFFFEC00  }
0xde: {  	[spmem:s20] =	stream.indirect.scatter.add.f32 [tilespmem:s8], [sflag:$0x9], $0x80, s28, s18, $0xb8;
	[tilespmem:$0x1F300] =	vst v63  }
0xdf: {  	_ =	swait.ge [sflag:s25], $0x1400  }
0xe0: {  	[sflag:s25] =	ssyncset.done $0x0  }
0xe1: {  	s29 =	simm.s32 $0x28E8;
	s28 =	simm.s32 $0x320;
	[sflag:s25] =	ssyncadd.s32 $0xFFFFEC00  }
.LBB2_4:
0xe2: {  	[spmem:s20] =	stream.indirect.scatter.add.f32 [tilespmem:s7], [sflag:$0xA], $0x80, s29, s18, $0xb8;
	[tilespmem:$0x1F300] =	vst v63  }
0xe3: {  	s29 =	smov.u32 s28  }
0xe4: {  	p0 =	sne.s32 s28, $0x9600;
	s28 =	sadd.s32 $0x320, s28;
	_ =	swait.ge [sflag:s10], $0x1400  }
0xe5: {  	s29 =	sshra.s32 s29, $0x2;
	[sflag:s10] =	ssyncset.done $0x0  }
0xe6: {  	s30 =	sadd.s32 $0xC8, s29;
	[sflag:s10] =	ssyncadd.s32 $0xFFFFEC00  }
0xe7: {  	[tilespmem:s9], [sflag:$0x1] =	stream.indirect.gather [hbm4b:s19+s18], $0x80, s30, s18, $0xb8;
	[tilespmem:$0x1F300] =	vst v63  }
0xe8: {  	_ =	swait.ge [sflag:s11], $0x1400  }
0xe9: {  	[sflag:s11] =	ssyncset.done $0x0  }
0xea: {  	s30 =	sadd.s32 $0xF0, s29;
	[sflag:s11] =	ssyncadd.s32 $0xFFFFEC00  }
0xeb: {  	[tilespmem:s21], [sflag:$0x2] =	stream.indirect.gather [hbm4b:s19+s18], $0x80, s30, s18, $0xb8;
	[tilespmem:$0x1F300] =	vst v63  }
0xec: {  	_ =	swait.ge [sflag:s12], $0x1400  }
0xed: {  	[sflag:s12] =	ssyncset.done $0x0  }
0xee: {  	s30 =	sadd.s32 $0x118, s29;
	[sflag:s12] =	ssyncadd.s32 $0xFFFFEC00  }
0xef: {  	[tilespmem:s22], [sflag:$0x3] =	stream.indirect.gather [hbm4b:s19+s18], $0x80, s30, s18, $0xb8;
	[tilespmem:$0x1F300] =	vst v63  }
0xf0: {  	_ =	swait.ge [sflag:s13], $0x1400  }
0xf1: {  	[sflag:s13] =	ssyncset.done $0x0  }
0xf2: {  	s30 =	sadd.s32 $0x140, s29;
	[sflag:s13] =	ssyncadd.s32 $0xFFFFEC00  }
0xf3: {  	[tilespmem:s8], [sflag:$0x4] =	stream.indirect.gather [hbm4b:s19+s18], $0x80, s30, s18, $0xb8;
	[tilespmem:$0x1F300] =	vst v63  }
0xf4: {  	_ =	swait.ge [sflag:s14], $0x1400  }
0xf5: {  	[sflag:s14] =	ssyncset.done $0x0  }
0xf6: {  	s30 =	sadd.s32 $0x168, s29;
	[sflag:s14] =	ssyncadd.s32 $0xFFFFEC00  }
0xf7: {  	[tilespmem:s7], [sflag:$0x5] =	stream.indirect.gather [hbm4b:s19+s18], $0x80, s30, s18, $0xb8;
	[tilespmem:$0x1F300] =	vst v63  }
0xf8: {  	_ =	swait.ge [sflag:s15], $0x1400  }
0xf9: {  	[sflag:s15] =	ssyncset.done $0x0  }
0xfa: {  	s30 =	sadd.s32 $0x2848, s29;
	[sflag:s15] =	ssyncadd.s32 $0xFFFFEC00  }
0xfb: {  	[spmem:s20] =	stream.indirect.scatter.add.f32 [tilespmem:s9], [sflag:$0x6], $0x80, s30, s18, $0xb8;
	[tilespmem:$0x1F300] =	vst v63  }
0xfc: {  	_ =	swait.ge [sflag:s16], $0x1400  }
0xfd: {  	[sflag:s16] =	ssyncset.done $0x0  }
0xfe: {  	s30 =	sadd.s32 $0x2870, s29;
	[sflag:s16] =	ssyncadd.s32 $0xFFFFEC00  }
0xff: {  	[spmem:s20] =	stream.indirect.scatter.add.f32 [tilespmem:s21], [sflag:$0x7], $0x80, s30, s18, $0xb8;
	[tilespmem:$0x1F300] =	vst v63  }
0x100: {  	_ =	swait.ge [sflag:s23], $0x1400  }
0x101: {  	[sflag:s23] =	ssyncset.done $0x0  }
0x102: {  	s30 =	sadd.s32 $0x2898, s29;
	[sflag:s23] =	ssyncadd.s32 $0xFFFFEC00  }
0x103: {  	[spmem:s20] =	stream.indirect.scatter.add.f32 [tilespmem:s22], [sflag:$0x8], $0x80, s30, s18, $0xb8;
	[tilespmem:$0x1F300] =	vst v63  }
0x104: {  	_ =	swait.ge [sflag:s24], $0x1400  }
0x105: {  	[sflag:s24] =	ssyncset.done $0x0  }
.Ltmp1:
0x106: {  	s30 =	sadd.s32 $0x28C0, s29;
	[sflag:s24] =	ssyncadd.s32 $0xFFFFEC00;
	(pc) =	sbr.rel @p0 .LBB2_4-.Ltmp1, $4  }
0x107: {  	[spmem:s20] =	stream.indirect.scatter.add.f32 [tilespmem:s8], [sflag:$0x9], $0x80, s30, s18, $0xb8;
	[tilespmem:$0x1F300] =	vst v63  }
0x108: {  	_ =	swait.ge [sflag:s25], $0x1400  }
0x109: {  	[sflag:s25] =	ssyncset.done $0x0  }
0x10a: {  	s29 =	sadd.s32 $0x28E8, s29;
	[sflag:s25] =	ssyncadd.s32 $0xFFFFEC00  }
0x10b: {  	[spmem:s20] =	stream.indirect.scatter.add.f32 [tilespmem:s7], [sflag:$0xA], $0x80, s29, s18, $0xb8;
	[tilespmem:$0x1F300] =	vst v63  }
0x10c: {  	_ =	swait.ge [sflag:s10], $0x1400  }
0x10d: {  	[sflag:s10] =	ssyncset.done $0x0  }
0x10e: {  	[sflag:s10] =	ssyncadd.s32 $0xFFFFEC00  }
0x10f: {  	_ =	swait.ge [sflag:s11], $0x1400  }
0x110: {  	[sflag:s11] =	ssyncset.done $0x0  }
0x111: {  	[sflag:s11] =	ssyncadd.s32 $0xFFFFEC00  }
0x112: {  	_ =	swait.ge [sflag:s12], $0x1400  }
0x113: {  	[sflag:s12] =	ssyncset.done $0x0  }
0x114: {  	[sflag:s12] =	ssyncadd.s32 $0xFFFFEC00  }
0x115: {  	_ =	swait.ge [sflag:s13], $0x1400  }
0x116: {  	[sflag:s13] =	ssyncset.done $0x0  }
0x117: {  	[sflag:s13] =	ssyncadd.s32 $0xFFFFEC00  }
0x118: {  	_ =	swait.ge [sflag:s14], $0x1400  }
0x119: {  	[sflag:s14] =	ssyncset.done $0x0  }
0x11a: {  	[sflag:s14] =	ssyncadd.s32 $0xFFFFEC00  }
0x11b: {  	s0 =	stileid.u32;
	[bflag:$0x0] =	sbarrier.arrive $0xFFFF  }
0x11c: {  	s28 =	sshll.u32 s0, $0x6;
	s31 =	rddreg [dreg:$0x18]  }
0x11d: {  	s29 =	sor.u32 $0x1C06, s28;
	s1 =	rddreg [dreg:$0x8];
	s30 =	sshrl.u32 s31, $0x3  }
0x11e: {  	[hbm:s1], [sflag:s29] =	dma.local [spmem:s30], $0x280  }
0x11f: {  	s0 =	rddreg [dreg:$0x19]  }
0x120: {  	s30 =	sor.u32 $0x1C07, s28;
	s17 =	rddreg [dreg:$0x9];
	s31 =	sshrl.u32 s0, $0x3  }
0x121: {  	[hbm:s17], [sflag:s30] =	dma.local [spmem:s31], $0x280  }
0x122: {  	s0 =	rddreg [dreg:$0x1a]  }
0x123: {  	s31 =	sor.u32 $0x1C08, s28;
	s1 =	rddreg [dreg:$0xa];
	s17 =	sshrl.u32 s0, $0x3  }
0x124: {  	[hbm:s1], [sflag:s31] =	dma.local [spmem:s17], $0x280  }
0x125: {  	s0 =	rddreg [dreg:$0x1b]  }
0x126: {  	s17 =	sor.u32 $0x1C09, s28;
	s1 =	rddreg [dreg:$0xb];
	s0 =	sshrl.u32 s0, $0x3  }
0x127: {  	[hbm:s1], [sflag:s17] =	dma.local [spmem:s0], $0x280  }
0x128: {  	s1 =	rddreg [dreg:$0x1c]  }
0x129: {  	s0 =	sor.u32 $0x1C0A, s28;
	s28 =	sshrl.u32 s1, $0x3;
	s1 =	rddreg [dreg:$0xc]  }
0x12a: {  	[hbm:s1], [sflag:s0] =	dma.local [spmem:s28], $0x280  }
0x12b: {  	s1 =	rddreg [dreg:$0x1d]  }
0x12c: {  	s28 =	sshrl.u32 s1, $0x3;
	s1 =	rddreg [dreg:$0xd]  }
0x12d: {  	[hbm:s1], [sflag:s29] =	dma.local [spmem:s28], $0x280  }
0x12e: {  	s1 =	rddreg [dreg:$0x1e]  }
0x12f: {  	s28 =	sshrl.u32 s1, $0x3;
	s1 =	rddreg [dreg:$0xe]  }
0x130: {  	[hbm:s1], [sflag:s30] =	dma.local [spmem:s28], $0x280  }
0x131: {  	s1 =	rddreg [dreg:$0x1f]  }
0x132: {  	s28 =	sshrl.u32 s1, $0x3;
	s1 =	rddreg [dreg:$0xf]  }
0x133: {  	[hbm:s1], [sflag:s31] =	dma.local [spmem:s28], $0x280  }
0x134: {  	s1 =	sld [smem:$0x7FA];
	_ =	sdelay $0x2  }
0x135: {  	s28 =	sshrl.u32 s1, $0x3;
	s1 =	rddreg [dreg:$0x10]  }
0x136: {  	[hbm:s1], [sflag:s17] =	dma.local [spmem:s28], $0x280  }
0x137: {  	s1 =	sld [smem:$0x7FB];
	_ =	sdelay $0x2  }
0x138: {  	s28 =	sshrl.u32 s1, $0x3;
	s1 =	rddreg [dreg:$0x11]  }
0x139: {  	[hbm:s1], [sflag:s0] =	dma.local [spmem:s28], $0x280  }
0x13a: {  	s1 =	sld [smem:$0x7FC];
	_ =	sdelay $0x2  }
0x13b: {  	s28 =	sshrl.u32 s1, $0x3;
	s1 =	rddreg [dreg:$0x12]  }
0x13c: {  	[hbm:s1], [sflag:s29] =	dma.local [spmem:s28], $0x280  }
0x13d: {  	s28 =	sshrl.u32 s2, $0x3;
	s1 =	rddreg [dreg:$0x13]  }
0x13e: {  	[hbm:s1], [sflag:s30] =	dma.local [spmem:s28], $0x280  }
0x13f: {  	s30 =	sshrl.u32 s3, $0x3;
	s1 =	rddreg [dreg:$0x14]  }
0x140: {  	[hbm:s1], [sflag:s31] =	dma.local [spmem:s30], $0x280  }
0x141: {  	s31 =	sshrl.u32 s4, $0x3;
	s1 =	rddreg [dreg:$0x15]  }
0x142: {  	[hbm:s1], [sflag:s17] =	dma.local [spmem:s31], $0x280  }
0x143: {  	s28 =	sshrl.u32 s5, $0x3;
	s1 =	rddreg [dreg:$0x16]  }
0x144: {  	[hbm:s1], [sflag:s0] =	dma.local [spmem:s28], $0x280  }
0x145: {  	s30 =	sshrl.u32 s6, $0x3;
	s1 =	rddreg [dreg:$0x17]  }
0x146: {  	[hbm:s1], [sflag:s29] =	dma.local [spmem:s30], $0x280  }
0x147: {  	_ =	swait.ge [sflag:s10], $0x280  }
0x148: {  	[sflag:s10] =	ssyncset.done $0x0  }
0x149: {  	[sflag:s10] =	ssyncadd.s32 $0xFFFFFD80  }
0x14a: {  	_ =	swait.ge [sflag:s11], $0x280  }
0x14b: {  	[sflag:s11] =	ssyncset.done $0x0  }
0x14c: {  	[sflag:s11] =	ssyncadd.s32 $0xFFFFFD80  }
0x14d: {  	_ =	swait.ge [sflag:s12], $0x280  }
0x14e: {  	[sflag:s12] =	ssyncset.done $0x0  }
0x14f: {  	[sflag:s12] =	ssyncadd.s32 $0xFFFFFD80  }
0x150: {  	_ =	swait.ge [sflag:s13], $0x280  }
0x151: {  	[sflag:s13] =	ssyncset.done $0x0  }
0x152: {  	[sflag:s13] =	ssyncadd.s32 $0xFFFFFD80  }
0x153: {  	_ =	swait.ge [sflag:s14], $0x280  }
0x154: {  	[sflag:s14] =	ssyncset.done $0x0  }
0x155: {  	[sflag:s14] =	ssyncadd.s32 $0xFFFFFD80  }
0x156: {  	_ =	swait.ge [sflag:s10], $0x280  }
0x157: {  	[sflag:s10] =	ssyncset.done $0x0  }
0x158: {  	[sflag:s10] =	ssyncadd.s32 $0xFFFFFD80  }
0x159: {  	_ =	swait.ge [sflag:s11], $0x280  }
0x15a: {  	[sflag:s11] =	ssyncset.done $0x0  }
0x15b: {  	[sflag:s11] =	ssyncadd.s32 $0xFFFFFD80  }
0x15c: {  	_ =	swait.ge [sflag:s12], $0x280  }
0x15d: {  	[sflag:s12] =	ssyncset.done $0x0  }
0x15e: {  	[sflag:s12] =	ssyncadd.s32 $0xFFFFFD80  }
0x15f: {  	_ =	swait.ge [sflag:s13], $0x280  }
0x160: {  	[sflag:s13] =	ssyncset.done $0x0  }
0x161: {  	[sflag:s13] =	ssyncadd.s32 $0xFFFFFD80  }
0x162: {  	_ =	swait.ge [sflag:s14], $0x280  }
0x163: {  	[sflag:s14] =	ssyncset.done $0x0  }
0x164: {  	[sflag:s14] =	ssyncadd.s32 $0xFFFFFD80  }
0x165: {  	_ =	swait.ge [sflag:s10], $0x280  }
0x166: {  	[sflag:s10] =	ssyncset.done $0x0  }
0x167: {  	[sflag:s10] =	ssyncadd.s32 $0xFFFFFD80  }
0x168: {  	_ =	swait.ge [sflag:s11], $0x280  }
0x169: {  	[sflag:s11] =	ssyncset.done $0x0  }
0x16a: {  	[sflag:s11] =	ssyncadd.s32 $0xFFFFFD80  }
0x16b: {  	_ =	swait.ge [sflag:s12], $0x280  }
0x16c: {  	[sflag:s12] =	ssyncset.done $0x0  }
0x16d: {  	[sflag:s12] =	ssyncadd.s32 $0xFFFFFD80  }
0x16e: {  	_ =	swait.ge [sflag:s13], $0x280  }
0x16f: {  	[sflag:s13] =	ssyncset.done $0x0  }
0x170: {  	[sflag:s13] =	ssyncadd.s32 $0xFFFFFD80  }
0x171: {  	_ =	swait.ge [sflag:s14], $0x280  }
0x172: {  	[sflag:s14] =	ssyncset.done $0x0  }
0x173: {  	[sflag:s14] =	ssyncadd.s32 $0xFFFFFD80  }
0x174: {  	_ =	swait.ge [sflag:s10], $0x280  }
0x175: {  	s31 =	sld [smem:$0x7FD];
	_ =	sdelay $0x1  }
0x176: {  	s26 =	sadd.s32 $0x1, s26  }
0x177: {  	p0 =	sne.s32 s26, s31  }
.Ltmp2:
0x178: {  	_ = 	snop;
	(pc) =	sbr.rel @p0 .LBB2_1-.Ltmp2, $3  }
0x179: {  	_ =	sdelay $0x1  }
0x17a: {  	[sflag:s10] =	ssyncset.done $0x0  }
0x17b: {  	s1 =	simm.s32 $0x2780;
	[sflag:s10] =	ssyncadd.s32 $0xFFFFFD80  }
0x17c: {  	_ =	sfence.sel $0x180000  }
0x17d: {  	[bflag:$0x0] =	sbarrier.arrive $0xFFFF  }
0x17e: {  	_ =	strace $0x90000047  }
0x17f: {  	s0 =	stileid.u32;
	[bflag:$0x2] =	sbarrier.arrive $0xFFFF  }
0x180: {  	p0 =	sne.s32 s0, $0x0;
	s0 =	rddreg [dreg:$0x5]  }
0x181: {  	s0 =	sadd.s32 @!p0 $0x100000, s0  }
0x182: {  	[sflag:s0] =	ssyncadd.tile.s32 @!p0 $0x1;
	_ =	shalt  }
.Lfunc_end2:
_tile_overlayer_lowered:
.L_overlay_start_2:
0x183: {  	(tag) =	ssettag $0x2  }
0x184: {  	s0 =	rddreg [dreg:$0x0];
	s2 =	stileid.u32  }
0x185: {  	s1 =	rddreg [dreg:$0x1];
	p0 =	sne.s32 s2, $0x0  }
0x186: {  	s3 =	rddreg [dreg:$0x2];
	[bflag:$0x3] =	sbarrier.arrive $0xFFFF;
	s2 =	simm.s32 @!p0 $0x1C0B  }
0x187: {  	[timem:s3], [sflag:s2] =	dma.local @!p0 [hbm:s0], s1  }
0x188: {  	s0 =	simm.s32 @!p0 $0xB  }
0x189: {  	_ =	swait.ge @!p0 [sflag:s0], s1  }
0x18a: {  	s1 =	ssub.s32 @!p0 $0x0, s1;
	[sflag:s0] =	ssyncset.done @!p0 $0x0  }
0x18b: {  	[sflag:s0] =	ssyncadd.s32 @!p0 s1  }
0x18c: {  	[bflag:$0x3] =	sbarrier.arrive $0xFFFF  }
0x18d: {  	_ =	shalt  }

</sc_bundles>
